<compile_context>
chip_gen: v7x
topology: tpu7x:2x2x1
jax: 0.10.2.dev20260603
libtpu: 0.0.44.dev20260713+nightly
codegen_flags: <defaults>
</compile_context>

<pallas_src>
import dataclasses
import functools

import jax
import jax.numpy as jnp
from jax import lax
from jax.experimental import pallas as pl
from jax.experimental.pallas import tpu as pltpu
from jax.experimental.pallas import tpu_sc as plsc

N_NODES = 10000
D = 256
HALF = 128
N_EDGES = 160000

NC = 2
NS = 16
ROWS = 10240
E_PAD = 163840
K = 128
E_PER_TEC = E_PAD // NS
NCHUNK = E_PER_TEC // K
E_PER_TEC_H = E_PAD // (NC * NS)
ROWS_PER_TEC = ROWS // NS

_mesh = plsc.VectorSubcoreMesh(core_axis_name="c", subcore_axis_name="s")

_cp = pltpu.CompilerParams()
if "needs_layout_passes" in pltpu.CompilerParams.__dataclass_fields__:
    _cp = dataclasses.replace(_cp, needs_layout_passes=False)


@functools.partial(
    pl.kernel,
    out_type=jax.ShapeDtypeStruct((NC * NS, ROWS), jnp.float32),
    mesh=_mesh,
    compiler_params=_cp,
    scratch_types=[
        pltpu.VMEM((E_PER_TEC_H,), jnp.int32),
        pltpu.VMEM((ROWS,), jnp.float32),
    ],
)
def _hist_kernel(dst_hbm, out_hbm, idx_v, hist_v):
    c = lax.axis_index("c")
    s = lax.axis_index("s")
    wid = c * NS + s
    pltpu.sync_copy(dst_hbm.at[pl.ds(wid * E_PER_TEC_H, E_PER_TEC_H)], idx_v)

    @pl.loop(0, ROWS, step=16)
    def _zero(i):
        hist_v[pl.ds(i, 16)] = jnp.zeros((16,), jnp.float32)

    ones = jnp.ones((16,), jnp.float32)

    @pl.loop(0, E_PER_TEC_H, step=16)
    def _accum(i):
        idx = idx_v[pl.ds(i, 16)]
        plsc.addupdate_scatter(hist_v, [idx], ones)

    pltpu.sync_copy(hist_v, out_hbm.at[wid])


NBUF = 2
NHALF = 2
NCHUNK2 = NCHUNK // NHALF

@functools.partial(
    pl.kernel,
    out_type=jax.ShapeDtypeStruct((NC, ROWS, HALF), jnp.float32),
    mesh=_mesh,
    scratch_types=[
        pltpu.VMEM((NCHUNK2, K), jnp.int32),
        pltpu.VMEM((NCHUNK2, K), jnp.int32),
        pltpu.VMEM((NBUF * K, HALF), jnp.float32),
        pltpu.VMEM_SHARED((ROWS, HALF), jnp.float32),
    ] + [pltpu.SemaphoreType.DMA] * (NBUF + 1),
)
def _scatter_kernel(src2_hbm, dst_hbm, g_hbm, out_hbm,
                    src_half, dst_half, rows_v, acc, *sems):
    c = lax.axis_index("c")
    s = lax.axis_index("s")
    gsems = sems[:NBUF]
    isem = sems[NBUF]

    row0 = s * ROWS_PER_TEC
    pltpu.async_copy(g_hbm.at[pl.ds(c * ROWS + row0, ROWS_PER_TEC)],
                     acc.at[pl.ds(row0, ROWS_PER_TEC)], isem)
    pltpu.make_async_copy(g_hbm.at[pl.ds(0, ROWS_PER_TEC)],
                          acc.at[pl.ds(row0, ROWS_PER_TEC)], isem).wait()

    plsc.subcore_barrier()

    def _buf(b):
        return rows_v.at[pl.ds(b * K, K)]

    def _gather_start(chunk, b):
        pltpu.async_copy(g_hbm.at[src_half.at[chunk]], _buf(b), gsems[b])

    def _gather_wait(b):
        pltpu.make_async_copy(g_hbm.at[src_half.at[0]], _buf(b),
                              gsems[b]).wait()

    def _scatter(chunk, b):
        pltpu.sync_copy(_buf(b), acc.at[dst_half.at[chunk]], add=True)

    @pl.loop(0, NHALF)
    def _half(hf):
        pltpu.sync_copy(src2_hbm.at[c, s, pl.ds(hf * NCHUNK2, NCHUNK2)],
                        src_half)
        pltpu.sync_copy(dst_hbm.at[s, pl.ds(hf * NCHUNK2, NCHUNK2)], dst_half)

        for b in range(NBUF):
            _gather_start(b, b)

        @pl.loop(0, NCHUNK2 - NBUF, step=NBUF)
        def _chunks(j):
            for b in range(NBUF):
                _gather_wait(b)
                _scatter(j + b, b)
                _gather_start(j + b + NBUF, b)

        for b in range(NBUF):
            _gather_wait(b)
            _scatter(NCHUNK2 - NBUF + b, b)

    plsc.subcore_barrier()
    pltpu.sync_copy(acc.at[pl.ds(row0, ROWS_PER_TEC)],
                    out_hbm.at[c, pl.ds(row0, ROWS_PER_TEC)])


def _mm1_body(x_ref, w1_ref, h_ref):
    h_ref[...] = jnp.dot(x_ref[...], w1_ref[...],
                         preferred_element_type=jnp.float32)


def _combine_body(hist_ref, h_ref, gcat_ref, dinv_ref):
    deg = jnp.sum(hist_ref[...], axis=1, keepdims=True)[:N_NODES] + 1.0
    dinv = lax.rsqrt(deg)
    dinv_ref[...] = dinv
    g = h_ref[...] * dinv
    gcat_ref[pl.ds(0, N_NODES), :] = g[:, :HALF]
    gcat_ref[pl.ds(ROWS, N_NODES), :] = g[:, HALF:]
    zpad = jnp.zeros((ROWS - N_NODES, HALF), jnp.float32)
    gcat_ref[pl.ds(N_NODES, ROWS - N_NODES), :] = zpad
    gcat_ref[pl.ds(ROWS + N_NODES, ROWS - N_NODES), :] = zpad


def _mid_body(s0_ref, s1_ref, dinv_ref, b1_ref, w2_ref, gcat2_ref):
    dinv = dinv_ref[...]
    u = jnp.concatenate([s0_ref[pl.ds(0, N_NODES), :],
                         s1_ref[pl.ds(0, N_NODES), :]], axis=1)
    z = jnp.maximum(u * dinv + b1_ref[...], 0.0)
    h2 = jnp.dot(z, w2_ref[...], preferred_element_type=jnp.float32)
    g2 = h2 * dinv
    gcat2_ref[pl.ds(0, N_NODES), :] = g2[:, :HALF]
    gcat2_ref[pl.ds(ROWS, N_NODES), :] = g2[:, HALF:]
    zpad = jnp.zeros((ROWS - N_NODES, HALF), jnp.float32)
    gcat2_ref[pl.ds(N_NODES, ROWS - N_NODES), :] = zpad
    gcat2_ref[pl.ds(ROWS + N_NODES, ROWS - N_NODES), :] = zpad


def _final_body(s0_ref, s1_ref, dinv_ref, b2_ref, out_ref):
    u = jnp.concatenate([s0_ref[pl.ds(0, N_NODES), :],
                         s1_ref[pl.ds(0, N_NODES), :]], axis=1)
    out_ref[...] = u * dinv_ref[...] + b2_ref[...]


def kernel(x, edge_index, W1, b1, W2, b2):
    src = edge_index[0].astype(jnp.int32)
    dst = edge_index[1].astype(jnp.int32)

    pad = E_PAD - N_EDGES
    src_p = jnp.concatenate([src, jnp.zeros((pad,), jnp.int32)])
    dst_p = jnp.concatenate([dst, jnp.full((pad,), N_NODES, jnp.int32)])
    src2 = jnp.stack([src_p, src_p + ROWS]).reshape(NC, NS, NCHUNK, K)
    dst_c = dst_p.reshape(NS, NCHUNK, K)

    hist = _hist_kernel(dst_p)
    hist_t = hist.T

    h = pl.pallas_call(
        _mm1_body,
        out_shape=jax.ShapeDtypeStruct((N_NODES, D), jnp.float32),
    )(x, W1)

    b1r = b1.reshape(1, D)
    b2r = b2.reshape(1, D)

    gcat1, dinv = pl.pallas_call(
        _combine_body,
        out_shape=(
            jax.ShapeDtypeStruct((2 * ROWS, HALF), jnp.float32),
            jax.ShapeDtypeStruct((N_NODES, 1), jnp.float32),
        ),
    )(hist_t, h)

    s1 = _scatter_kernel(src2, dst_c, gcat1)

    gcat2 = pl.pallas_call(
        _mid_body,
        out_shape=jax.ShapeDtypeStruct((2 * ROWS, HALF), jnp.float32),
    )(s1[0], s1[1], dinv, b1r, W2)

    s2 = _scatter_kernel(src2, dst_c, gcat2)

    out = pl.pallas_call(
        _final_body,
        out_shape=jax.ShapeDtypeStruct((N_NODES, D), jnp.float32),
    )(s2[0], s2[1], dinv, b2r)

    return out

# --- scband reference (transcript-rebuilt; emitter-appended) ---
"""Pipeline reference for scband-gcn-6038724018186 (READ-ONLY COPY).

The authoritative reference and input builder live on the scoring server;
editing this copy changes nothing except your own understanding.
"""

import jax, jax.numpy as jnp
import numpy as np

N_NODES = 10000
D_IN = 256
D_HID = 256
D_OUT = 256
N_EDGES = 160000


def setup_inputs(seed: int = 0) -> dict:
    key = jax.random.key(seed)
    k_x, k_e, k_w1, k_b1, k_w2, k_b2 = jax.random.split(key, 6)
    x = jax.random.normal(k_x, (N_NODES, D_IN), dtype=jnp.float32)
    edge_index = jax.random.randint(k_e, (2, N_EDGES), 0, N_NODES, dtype=jnp.int64 if jax.config.jax_enable_x64 else jnp.int32)
    # Glorot-style init for GCN weights
    W1 = jax.random.normal(k_w1, (D_IN, D_HID), dtype=jnp.float32) * (1.0 / np.sqrt(D_IN))
    b1 = jnp.zeros((D_HID,), dtype=jnp.float32)
    W2 = jax.random.normal(k_w2, (D_HID, D_OUT), dtype=jnp.float32) * (1.0 / np.sqrt(D_HID))
    b2 = jnp.zeros((D_OUT,), dtype=jnp.float32)
    return {"x": x, "edge_index": edge_index, "W1": W1, "b1": b1, "W2": W2, "b2": b2}


def _gcn_conv(x, src, dst, W, b, num_nodes):
    # symmetric normalization with self-loops: D^{-1/2} (A+I) D^{-1/2} X W + b
    loop = jnp.arange(num_nodes, dtype=src.dtype)
    src_sl = jnp.concatenate([src, loop])
    dst_sl = jnp.concatenate([dst, loop])
    deg = jnp.zeros((num_nodes,), dtype=x.dtype).at[dst_sl].add(1.0)
    dinv = jnp.where(deg > 0, 1.0 / jnp.sqrt(deg), 0.0)
    norm = dinv[src_sl] * dinv[dst_sl]
    h = x @ W
    msg = h[src_sl] * norm[:, None]
    out = jnp.zeros((num_nodes, W.shape[1]), dtype=x.dtype).at[dst_sl].add(msg)
    return out + b


def reference(x, edge_index, W1, b1, W2, b2):
    src = edge_index[0]
    dst = edge_index[1]
    n = x.shape[0]
    h = _gcn_conv(x, src, dst, W1, b1, n)
    h = jax.nn.relu(h)
    # dropout is identity in eval mode
    out = _gcn_conv(h, src, dst, W2, b2, n)
    return out

if __name__ == "__main__":
    import jax
    _d = setup_inputs()
    print(jax.jit(kernel)(*tuple(_d.values())))

</pallas_src>

<mosaic_0001>
#map = affine_map<(d0, d1) -> (0)>
#map1 = affine_map<(d0, d1) -> (0, 0)>
module attributes {stable_mosaic.version = 14 : i64} {
  func.func @_hist_kernel(%arg0: i32, %arg1: i32, %arg2: memref<163840xi32, #tpu.memory_space<hbm>>, %arg3: memref<32x10240xf32, #tpu.memory_space<hbm>>, %arg4: memref<5120xi32, #tpu.memory_space<vmem>>, %arg5: memref<10240xf32, #tpu.memory_space<vmem>>) attributes {dimension_semantics = [#tpu.dimension_semantics<core_parallel>, #tpu.dimension_semantics<subcore_parallel>], iteration_bounds = array<i64: 2, 16>, scalar_prefetch = 0 : i64, scratch_operands = 2 : i64, tpu.core_type = #tpu.core_type<sc_vector_subcore>, window_params = [{transform_indices = #map}, {transform_indices = #map1}]} {
    %mul3A = arith.constant 16 : i32
    %mul3A_0 = arith.muli %arg0, %mul3A : i32
    %add3A = arith.addi %mul3A_0, %arg1 : i32
    %mul3A_1 = arith.constant 5120 : i32
    %mul3A_2 = arith.muli %add3A, %mul3A_1 : i32
    "tpu.region"() ({
      %run_scoped3A = tpu.sem_alloc : memref<!tpu.dma_semaphore, #tpu.memory_space<semaphore_mem>>
      %dma_start3A = tpu.memref_slice %arg2[%mul3A_2] : memref<163840xi32, #tpu.memory_space<hbm>> -> memref<5120xi32, #tpu.memory_space<hbm>>
      %dma_start3A_13 = tpu.memref_slice %arg2[%mul3A_2] : memref<163840xi32, #tpu.memory_space<hbm>> -> memref<5120xi32, #tpu.memory_space<hbm>>
      tpu.enqueue_dma source(%dma_start3A_13 : memref<5120xi32, #tpu.memory_space<hbm>>) target(%arg4 : memref<5120xi32, #tpu.memory_space<vmem>>) target_semaphore(%run_scoped3A : memref<!tpu.dma_semaphore, #tpu.memory_space<semaphore_mem>>)
      %dma_wait3A = tpu.memref_slice %arg2[%mul3A_2] : memref<163840xi32, #tpu.memory_space<hbm>> -> memref<5120xi32, #tpu.memory_space<hbm>>
      %dma_wait3A_14 = tpu.memref_slice %arg2[%mul3A_2] : memref<163840xi32, #tpu.memory_space<hbm>> -> memref<5120xi32, #tpu.memory_space<hbm>>
      tpu.wait_dma2 semaphore(%run_scoped3A : memref<!tpu.dma_semaphore, #tpu.memory_space<semaphore_mem>>) src(%dma_wait3A_14 : memref<5120xi32, #tpu.memory_space<hbm>>) dst(%arg4 : memref<5120xi32, #tpu.memory_space<vmem>>)
      tpu.yield
    }) : () -> ()
    %scan3A = arith.constant 0 : i32
    %scan3A_3 = arith.constant 640 : i32
    %scan3A_4 = arith.addi %scan3A, %scan3A_3 : i32
    %scan3A_5 = arith.constant 1 : i32
    scf.for %scan3A_13 = %scan3A to %scan3A_4 step %scan3A_5  : i32 {
      %mul3A_14 = arith.constant 16 : i32
      %mul3A_15 = arith.muli %scan3A_13, %mul3A_14 : i32
      %add3A_16 = arith.constant 0 : i32
      %add3A_17 = arith.addi %add3A_16, %mul3A_15 : i32
      %broadcast_in_dim3A_18 = arith.constant 0.000000e+00 : f32
      %broadcast_in_dim3A_19 = vector.broadcast %broadcast_in_dim3A_18 : f32 to vector<16xf32>
      %swap3A = arith.index_cast %add3A_17 : i32 to index
      %swap3A_20 = tpu.vector_load %arg5[%swap3A] {strides = array<i32>} : memref<10240xf32, #tpu.memory_space<vmem>>, vector<16xf32>,
      tpu.vector_store %arg5[%swap3A], %broadcast_in_dim3A_19 {strides = array<i32>} : memref<10240xf32, #tpu.memory_space<vmem>>, vector<16xf32>,
    }
    %scan3A_6 = arith.constant 640 : i32
    %broadcast_in_dim3A = arith.constant 1.000000e+00 : f32
    %broadcast_in_dim3A_7 = vector.broadcast %broadcast_in_dim3A : f32 to vector<16xf32>
    %scan3A_8 = arith.constant 0 : i32
    %scan3A_9 = arith.constant 320 : i32
    %scan3A_10 = arith.addi %scan3A_8, %scan3A_9 : i32
    %scan3A_11 = arith.constant 1 : i32
    scf.for %scan3A_13 = %scan3A_8 to %scan3A_10 step %scan3A_11  : i32 {
      %mul3A_14 = arith.constant 16 : i32
      %mul3A_15 = arith.muli %scan3A_13, %mul3A_14 : i32
      %add3A_16 = arith.constant 0 : i32
      %add3A_17 = arith.addi %add3A_16, %mul3A_15 : i32
      %get3A = arith.index_cast %add3A_17 : i32 to index
      %get3A_18 = tpu.vector_load %arg4[%get3A] {strides = array<i32>} : memref<5120xi32, #tpu.memory_space<vmem>>, vector<16xi32>,
      tpu.vector_store_idx %arg5[%get3A_18], %broadcast_in_dim3A_7 {add = true} : memref<10240xf32, #tpu.memory_space<vmem>>[vector<16xi32>], vector<16xf32>,
    }
    %scan3A_12 = arith.constant 320 : i32
    "tpu.region"() ({
      %run_scoped3A = tpu.sem_alloc : memref<!tpu.dma_semaphore, #tpu.memory_space<semaphore_mem>>
      %dma_start3A = arith.constant 0 : i32
      %dma_start3A_13 = tpu.memref_slice %arg3[%add3A, %dma_start3A] : memref<32x10240xf32, #tpu.memory_space<hbm>> -> memref<1x10240xf32, #tpu.memory_space<hbm>>
      %dma_start3A_14 = tpu.memref_squeeze %dma_start3A_13 : memref<1x10240xf32, #tpu.memory_space<hbm>> -> memref<10240xf32, #tpu.memory_space<hbm>>
      %dma_start3A_15 = arith.constant 0 : i32
      %dma_start3A_16 = tpu.memref_slice %arg3[%add3A, %dma_start3A_15] : memref<32x10240xf32, #tpu.memory_space<hbm>> -> memref<1x10240xf32, #tpu.memory_space<hbm>>
      %dma_start3A_17 = tpu.memref_squeeze %dma_start3A_16 : memref<1x10240xf32, #tpu.memory_space<hbm>> -> memref<10240xf32, #tpu.memory_space<hbm>>
      tpu.enqueue_dma source(%arg5 : memref<10240xf32, #tpu.memory_space<vmem>>) target(%dma_start3A_17 : memref<10240xf32, #tpu.memory_space<hbm>>) target_semaphore(%run_scoped3A : memref<!tpu.dma_semaphore, #tpu.memory_space<semaphore_mem>>)
      %dma_wait3A = arith.constant 0 : i32
      %dma_wait3A_18 = tpu.memref_slice %arg3[%add3A, %dma_wait3A] : memref<32x10240xf32, #tpu.memory_space<hbm>> -> memref<1x10240xf32, #tpu.memory_space<hbm>>
      %dma_wait3A_19 = tpu.memref_squeeze %dma_wait3A_18 : memref<1x10240xf32, #tpu.memory_space<hbm>> -> memref<10240xf32, #tpu.memory_space<hbm>>
      %dma_wait3A_20 = arith.constant 0 : i32
      %dma_wait3A_21 = tpu.memref_slice %arg3[%add3A, %dma_wait3A_20] : memref<32x10240xf32, #tpu.memory_space<hbm>> -> memref<1x10240xf32, #tpu.memory_space<hbm>>
      %dma_wait3A_22 = tpu.memref_squeeze %dma_wait3A_21 : memref<1x10240xf32, #tpu.memory_space<hbm>> -> memref<10240xf32, #tpu.memory_space<hbm>>
      tpu.wait_dma2 semaphore(%run_scoped3A : memref<!tpu.dma_semaphore, #tpu.memory_space<semaphore_mem>>) src(%arg5 : memref<10240xf32, #tpu.memory_space<vmem>>) dst(%dma_wait3A_22 : memref<10240xf32, #tpu.memory_space<hbm>>)
      tpu.yield
    }) : () -> ()
    return
  }
}

#map = affine_map<(d0, d1) -> (0, 0, 0, 0)>
#map1 = affine_map<(d0, d1) -> (0, 0, 0)>
#map2 = affine_map<(d0, d1) -> (0, 0)>
module attributes {stable_mosaic.version = 14 : i64} {
  func.func @_scatter_kernel(%arg0: i32, %arg1: i32, %arg2: memref<2x16x80x128xi32, #tpu.memory_space<hbm>>, %arg3: memref<16x80x128xi32, #tpu.memory_space<hbm>>, %arg4: memref<20480x128xf32, #tpu.memory_space<hbm>>, %arg5: memref<2x10240x128xf32, #tpu.memory_space<hbm>>, %arg6: memref<40x128xi32, #tpu.memory_space<vmem>>, %arg7: memref<40x128xi32, #tpu.memory_space<vmem>>, %arg8: memref<256x128xf32, #tpu.memory_space<vmem>>, %arg9: memref<10240x128xf32, #tpu.memory_space<vmem_shared>>, %arg10: memref<!tpu.dma_semaphore, #tpu.memory_space<semaphore_mem>>, %arg11: memref<!tpu.dma_semaphore, #tpu.memory_space<semaphore_mem>>, %arg12: memref<!tpu.dma_semaphore, #tpu.memory_space<semaphore_mem>>) attributes {dimension_semantics = [#tpu.dimension_semantics<core_parallel>, #tpu.dimension_semantics<subcore_parallel>], iteration_bounds = array<i64: 2, 16>, scalar_prefetch = 0 : i64, scratch_operands = 7 : i64, tpu.core_type = #tpu.core_type<sc_vector_subcore>, window_params = [{transform_indices = #map}, {transform_indices = #map1}, {transform_indices = #map2}, {transform_indices = #map1}]} {
    %mul3A = arith.constant 640 : i32
    %mul3A_0 = arith.muli %arg1, %mul3A : i32
    %mul3A_1 = arith.constant 10240 : i32
    %mul3A_2 = arith.muli %arg0, %mul3A_1 : i32
    %add3A = arith.addi %mul3A_2, %mul3A_0 : i32
    %dma_start3A = arith.constant 0 : i32
    %dma_start3A_3 = tpu.memref_slice %arg9[%mul3A_0, %dma_start3A] : memref<10240x128xf32, #tpu.memory_space<vmem_shared>> -> memref<640x128xf32, #tpu.memory_space<vmem_shared>>
    %dma_start3A_4 = arith.constant 0 : i32
    %dma_start3A_5 = tpu.memref_slice %arg4[%add3A, %dma_start3A_4] : memref<20480x128xf32, #tpu.memory_space<hbm>> -> memref<640x128xf32, #tpu.memory_space<hbm>>
    tpu.enqueue_dma source(%dma_start3A_5 : memref<640x128xf32, #tpu.memory_space<hbm>>) target(%dma_start3A_3 : memref<640x128xf32, #tpu.memory_space<vmem_shared>>) target_semaphore(%arg12 : memref<!tpu.dma_semaphore, #tpu.memory_space<semaphore_mem>>)
    %dma_wait3A = arith.constant 0 : i32
    %dma_wait3A_6 = tpu.memref_slice %arg9[%mul3A_0, %dma_wait3A] : memref<10240x128xf32, #tpu.memory_space<vmem_shared>> -> memref<640x128xf32, #tpu.memory_space<vmem_shared>>
    %dma_wait3A_7 = arith.constant 0 : i32
    %dma_wait3A_8 = arith.constant 0 : i32
    %dma_wait3A_9 = tpu.memref_slice %arg4[%dma_wait3A_7, %dma_wait3A_8] : memref<20480x128xf32, #tpu.memory_space<hbm>> -> memref<640x128xf32, #tpu.memory_space<hbm>>
    tpu.wait_dma2 semaphore(%arg12 : memref<!tpu.dma_semaphore, #tpu.memory_space<semaphore_mem>>) src(%dma_wait3A_9 : memref<640x128xf32, #tpu.memory_space<hbm>>) dst(%dma_wait3A_6 : memref<640x128xf32, #tpu.memory_space<vmem_shared>>)
    %barrier3A = arith.constant 0 : index
    tpu.barrier barrier_id(%barrier3A)
    %scan3A = arith.constant 0 : i32
    %scan3A_10 = arith.constant 2 : i32
    %scan3A_11 = arith.addi %scan3A, %scan3A_10 : i32
    %scan3A_12 = arith.constant 1 : i32
    scf.for %scan3A_15 = %scan3A to %scan3A_11 step %scan3A_12  : i32 {
      %mul3A_16 = arith.constant 1 : i32
      %mul3A_17 = arith.muli %scan3A_15, %mul3A_16 : i32
      %add3A_18 = arith.constant 0 : i32
      %add3A_19 = arith.addi %add3A_18, %mul3A_17 : i32
      %mul3A_20 = arith.constant 40 : i32
      %mul3A_21 = arith.muli %add3A_19, %mul3A_20 : i32
      "tpu.region"() ({
        %run_scoped3A_70 = tpu.sem_alloc : memref<!tpu.dma_semaphore, #tpu.memory_space<semaphore_mem>>
        %dma_start3A_71 = arith.constant 0 : i32
        %dma_start3A_72 = tpu.memref_slice %arg2[%arg0, %arg1, %mul3A_21, %dma_start3A_71] : memref<2x16x80x128xi32, #tpu.memory_space<hbm>> -> memref<1x1x40x128xi32, #tpu.memory_space<hbm>>
        %dma_start3A_73 = tpu.memref_squeeze %dma_start3A_72 : memref<1x1x40x128xi32, #tpu.memory_space<hbm>> -> memref<40x128xi32, #tpu.memory_space<hbm>>
        %dma_start3A_74 = arith.constant 0 : i32
        %dma_start3A_75 = tpu.memref_slice %arg2[%arg0, %arg1, %mul3A_21, %dma_start3A_74] : memref<2x16x80x128xi32, #tpu.memory_space<hbm>> -> memref<1x1x40x128xi32, #tpu.memory_space<hbm>>
        %dma_start3A_76 = tpu.memref_squeeze %dma_start3A_75 : memref<1x1x40x128xi32, #tpu.memory_space<hbm>> -> memref<40x128xi32, #tpu.memory_space<hbm>>
        tpu.enqueue_dma source(%dma_start3A_76 : memref<40x128xi32, #tpu.memory_space<hbm>>) target(%arg6 : memref<40x128xi32, #tpu.memory_space<vmem>>) target_semaphore(%run_scoped3A_70 : memref<!tpu.dma_semaphore, #tpu.memory_space<semaphore_mem>>)
        %dma_wait3A_77 = arith.constant 0 : i32
        %dma_wait3A_78 = tpu.memref_slice %arg2[%arg0, %arg1, %mul3A_21, %dma_wait3A_77] : memref<2x16x80x128xi32, #tpu.memory_space<hbm>> -> memref<1x1x40x128xi32, #tpu.memory_space<hbm>>
        %dma_wait3A_79 = tpu.memref_squeeze %dma_wait3A_78 : memref<1x1x40x128xi32, #tpu.memory_space<hbm>> -> memref<40x128xi32, #tpu.memory_space<hbm>>
        %dma_wait3A_80 = arith.constant 0 : i32
        %dma_wait3A_81 = tpu.memref_slice %arg2[%arg0, %arg1, %mul3A_21, %dma_wait3A_80] : memref<2x16x80x128xi32, #tpu.memory_space<hbm>> -> memref<1x1x40x128xi32, #tpu.memory_space<hbm>>
        %dma_wait3A_82 = tpu.memref_squeeze %dma_wait3A_81 : memref<1x1x40x128xi32, #tpu.memory_space<hbm>> -> memref<40x128xi32, #tpu.memory_space<hbm>>
        tpu.wait_dma2 semaphore(%run_scoped3A_70 : memref<!tpu.dma_semaphore, #tpu.memory_space<semaphore_mem>>) src(%dma_wait3A_82 : memref<40x128xi32, #tpu.memory_space<hbm>>) dst(%arg6 : memref<40x128xi32, #tpu.memory_space<vmem>>)
        tpu.yield
      }) : () -> ()
      %mul3A_22 = arith.constant 40 : i32
      %mul3A_23 = arith.muli %add3A_19, %mul3A_22 : i32
      "tpu.region"() ({
        %run_scoped3A_70 = tpu.sem_alloc : memref<!tpu.dma_semaphore, #tpu.memory_space<semaphore_mem>>
        %dma_start3A_71 = arith.constant 0 : i32
        %dma_start3A_72 = tpu.memref_slice %arg3[%arg1, %mul3A_23, %dma_start3A_71] : memref<16x80x128xi32, #tpu.memory_space<hbm>> -> memref<1x40x128xi32, #tpu.memory_space<hbm>>
        %dma_start3A_73 = tpu.memref_squeeze %dma_start3A_72 : memref<1x40x128xi32, #tpu.memory_space<hbm>> -> memref<40x128xi32, #tpu.memory_space<hbm>>
        %dma_start3A_74 = arith.constant 0 : i32
        %dma_start3A_75 = tpu.memref_slice %arg3[%arg1, %mul3A_23, %dma_start3A_74] : memref<16x80x128xi32, #tpu.memory_space<hbm>> -> memref<1x40x128xi32, #tpu.memory_space<hbm>>
        %dma_start3A_76 = tpu.memref_squeeze %dma_start3A_75 : memref<1x40x128xi32, #tpu.memory_space<hbm>> -> memref<40x128xi32, #tpu.memory_space<hbm>>
        tpu.enqueue_dma source(%dma_start3A_76 : memref<40x128xi32, #tpu.memory_space<hbm>>) target(%arg7 : memref<40x128xi32, #tpu.memory_space<vmem>>) target_semaphore(%run_scoped3A_70 : memref<!tpu.dma_semaphore, #tpu.memory_space<semaphore_mem>>)
        %dma_wait3A_77 = arith.constant 0 : i32
        %dma_wait3A_78 = tpu.memref_slice %arg3[%arg1, %mul3A_23, %dma_wait3A_77] : memref<16x80x128xi32, #tpu.memory_space<hbm>> -> memref<1x40x128xi32, #tpu.memory_space<hbm>>
        %dma_wait3A_79 = tpu.memref_squeeze %dma_wait3A_78 : memref<1x40x128xi32, #tpu.memory_space<hbm>> -> memref<40x128xi32, #tpu.memory_space<hbm>>
        %dma_wait3A_80 = arith.constant 0 : i32
        %dma_wait3A_81 = tpu.memref_slice %arg3[%arg1, %mul3A_23, %dma_wait3A_80] : memref<16x80x128xi32, #tpu.memory_space<hbm>> -> memref<1x40x128xi32, #tpu.memory_space<hbm>>
        %dma_wait3A_82 = tpu.memref_squeeze %dma_wait3A_81 : memref<1x40x128xi32, #tpu.memory_space<hbm>> -> memref<40x128xi32, #tpu.memory_space<hbm>>
        tpu.wait_dma2 semaphore(%run_scoped3A_70 : memref<!tpu.dma_semaphore, #tpu.memory_space<semaphore_mem>>) src(%dma_wait3A_82 : memref<40x128xi32, #tpu.memory_space<hbm>>) dst(%arg7 : memref<40x128xi32, #tpu.memory_space<vmem>>)
        tpu.yield
      }) : () -> ()
      %dma_start3A_24 = arith.constant 0 : i32
      %dma_start3A_25 = arith.constant 0 : i32
      %dma_start3A_26 = arith.constant 0 : i32
      %dma_start3A_27 = tpu.memref_slice %arg8[%dma_start3A_25, %dma_start3A_26] : memref<256x128xf32, #tpu.memory_space<vmem>> -> memref<128x128xf32, #tpu.memory_space<vmem>>
      %dma_start3A_28 = arith.constant 0 : i32
      %dma_start3A_29 = tpu.memref_slice %arg6[%dma_start3A_24, %dma_start3A_28] : memref<40x128xi32, #tpu.memory_space<vmem>> -> memref<1x128xi32, #tpu.memory_space<vmem>>
      %dma_start3A_30 = tpu.memref_squeeze %dma_start3A_29 : memref<1x128xi32, #tpu.memory_space<vmem>> -> memref<128xi32, #tpu.memory_space<vmem>>
      %dma_start3A_31 = arith.constant 0 : i32
      %dma_start3A_32 = arith.constant 0 : i32
      %dma_start3A_33 = tpu.memref_slice %arg4[%dma_start3A_31, %dma_start3A_32] : memref<20480x128xf32, #tpu.memory_space<hbm>> -> memref<20480x128xf32, #tpu.memory_space<hbm>>
      tpu.enqueue_indirect_dma source(%dma_start3A_33 : memref<20480x128xf32, #tpu.memory_space<hbm>>) target(%dma_start3A_27 : memref<128x128xf32, #tpu.memory_space<vmem>>) offsets(%dma_start3A_30 : memref<128xi32, #tpu.memory_space<vmem>>) semaphore(%arg10 : memref<!tpu.dma_semaphore, #tpu.memory_space<semaphore_mem>>)
      %dma_start3A_34 = arith.constant 1 : i32
      %dma_start3A_35 = arith.constant 128 : i32
      %dma_start3A_36 = arith.constant 0 : i32
      %dma_start3A_37 = tpu.memref_slice %arg8[%dma_start3A_35, %dma_start3A_36] : memref<256x128xf32, #tpu.memory_space<vmem>> -> memref<128x128xf32, #tpu.memory_space<vmem>>
      %dma_start3A_38 = arith.constant 0 : i32
      %dma_start3A_39 = tpu.memref_slice %arg6[%dma_start3A_34, %dma_start3A_38] : memref<40x128xi32, #tpu.memory_space<vmem>> -> memref<1x128xi32, #tpu.memory_space<vmem>>
      %dma_start3A_40 = tpu.memref_squeeze %dma_start3A_39 : memref<1x128xi32, #tpu.memory_space<vmem>> -> memref<128xi32, #tpu.memory_space<vmem>>
      %dma_start3A_41 = arith.constant 0 : i32
      %dma_start3A_42 = arith.constant 0 : i32
      %dma_start3A_43 = tpu.memref_slice %arg4[%dma_start3A_41, %dma_start3A_42] : memref<20480x128xf32, #tpu.memory_space<hbm>> -> memref<20480x128xf32, #tpu.memory_space<hbm>>
      tpu.enqueue_indirect_dma source(%dma_start3A_43 : memref<20480x128xf32, #tpu.memory_space<hbm>>) target(%dma_start3A_37 : memref<128x128xf32, #tpu.memory_space<vmem>>) offsets(%dma_start3A_40 : memref<128xi32, #tpu.memory_space<vmem>>) semaphore(%arg11 : memref<!tpu.dma_semaphore, #tpu.memory_space<semaphore_mem>>)
      %scan3A_44 = arith.constant 0 : i32
      %scan3A_45 = arith.constant 19 : i32
      %scan3A_46 = arith.addi %scan3A_44, %scan3A_45 : i32
      %scan3A_47 = arith.constant 1 : i32
      scf.for %scan3A_70 = %scan3A_44 to %scan3A_46 step %scan3A_47  : i32 {
        %mul3A_71 = arith.constant 2 : i32
        %mul3A_72 = arith.muli %scan3A_70, %mul3A_71 : i32
        %add3A_73 = arith.constant 0 : i32
        %add3A_74 = arith.addi %add3A_73, %mul3A_72 : i32
        %dma_wait3A_75 = arith.constant 0 : i32
        %dma_wait3A_76 = arith.constant 0 : i32
        %dma_wait3A_77 = arith.constant 0 : i32
        %dma_wait3A_78 = tpu.memref_slice %arg8[%dma_wait3A_76, %dma_wait3A_77] : memref<256x128xf32, #tpu.memory_space<vmem>> -> memref<128x128xf32, #tpu.memory_space<vmem>>
        %dma_wait3A_79 = arith.constant 0 : i32
        %dma_wait3A_80 = tpu.memref_slice %arg6[%dma_wait3A_75, %dma_wait3A_79] : memref<40x128xi32, #tpu.memory_space<vmem>> -> memref<1x128xi32, #tpu.memory_space<vmem>>
        %dma_wait3A_81 = tpu.memref_squeeze %dma_wait3A_80 : memref<1x128xi32, #tpu.memory_space<vmem>> -> memref<128xi32, #tpu.memory_space<vmem>>
        %dma_wait3A_82 = arith.constant 0 : i32
        %dma_wait3A_83 = arith.constant 0 : i32
        %dma_wait3A_84 = tpu.memref_slice %arg4[%dma_wait3A_82, %dma_wait3A_83] : memref<20480x128xf32, #tpu.memory_space<hbm>> -> memref<20480x128xf32, #tpu.memory_space<hbm>>
        tpu.wait_indirect_dma semaphore(%arg10 : memref<!tpu.dma_semaphore, #tpu.memory_space<semaphore_mem>>) src(%dma_wait3A_84 : memref<20480x128xf32, #tpu.memory_space<hbm>>) dst(%dma_wait3A_78 : memref<128x128xf32, #tpu.memory_space<vmem>>)
        %add3A_85 = arith.constant 0 : i32
        %add3A_86 = arith.addi %add3A_74, %add3A_85 : i32
        "tpu.region"() ({
          %run_scoped3A_125 = tpu.sem_alloc : memref<!tpu.dma_semaphore, #tpu.memory_space<semaphore_mem>>
          %dma_start3A_126 = arith.constant 0 : i32
          %dma_start3A_127 = arith.constant 0 : i32
          %dma_start3A_128 = tpu.memref_slice %arg8[%dma_start3A_126, %dma_start3A_127] : memref<256x128xf32, #tpu.memory_space<vmem>> -> memref<128x128xf32, #tpu.memory_space<vmem>>
          %dma_start3A_129 = arith.constant 0 : i32
          %dma_start3A_130 = tpu.memref_slice %arg7[%add3A_86, %dma_start3A_129] : memref<40x128xi32, #tpu.memory_space<vmem>> -> memref<1x128xi32, #tpu.memory_space<vmem>>
          %dma_start3A_131 = tpu.memref_squeeze %dma_start3A_130 : memref<1x128xi32, #tpu.memory_space<vmem>> -> memref<128xi32, #tpu.memory_space<vmem>>
          %dma_start3A_132 = arith.constant 0 : i32
          %dma_start3A_133 = arith.constant 0 : i32
          %dma_start3A_134 = tpu.memref_slice %arg9[%dma_start3A_132, %dma_start3A_133] : memref<10240x128xf32, #tpu.memory_space<vmem_shared>> -> memref<10240x128xf32, #tpu.memory_space<vmem_shared>>
          tpu.enqueue_indirect_dma source(%dma_start3A_128 : memref<128x128xf32, #tpu.memory_space<vmem>>) target(%dma_start3A_134 : memref<10240x128xf32, #tpu.memory_space<vmem_shared>>) offsets(%dma_start3A_131 : memref<128xi32, #tpu.memory_space<vmem>>) semaphore(%run_scoped3A_125 : memref<!tpu.dma_semaphore, #tpu.memory_space<semaphore_mem>>) {add = true}
          %dma_wait3A_135 = arith.constant 0 : i32
          %dma_wait3A_136 = arith.constant 0 : i32
          %dma_wait3A_137 = tpu.memref_slice %arg8[%dma_wait3A_135, %dma_wait3A_136] : memref<256x128xf32, #tpu.memory_space<vmem>> -> memref<128x128xf32, #tpu.memory_space<vmem>>
          %dma_wait3A_138 = arith.constant 0 : i32
          %dma_wait3A_139 = tpu.memref_slice %arg7[%add3A_86, %dma_wait3A_138] : memref<40x128xi32, #tpu.memory_space<vmem>> -> memref<1x128xi32, #tpu.memory_space<vmem>>
          %dma_wait3A_140 = tpu.memref_squeeze %dma_wait3A_139 : memref<1x128xi32, #tpu.memory_space<vmem>> -> memref<128xi32, #tpu.memory_space<vmem>>
          %dma_wait3A_141 = arith.constant 0 : i32
          %dma_wait3A_142 = arith.constant 0 : i32
          %dma_wait3A_143 = tpu.memref_slice %arg9[%dma_wait3A_141, %dma_wait3A_142] : memref<10240x128xf32, #tpu.memory_space<vmem_shared>> -> memref<10240x128xf32, #tpu.memory_space<vmem_shared>>
          tpu.wait_indirect_dma semaphore(%run_scoped3A_125 : memref<!tpu.dma_semaphore, #tpu.memory_space<semaphore_mem>>) src(%dma_wait3A_137 : memref<128x128xf32, #tpu.memory_space<vmem>>) dst(%dma_wait3A_143 : memref<10240x128xf32, #tpu.memory_space<vmem_shared>>)
          tpu.yield
        }) : () -> ()
        %add3A_87 = arith.constant 0 : i32
        %add3A_88 = arith.addi %add3A_74, %add3A_87 : i32
        %add3A_89 = arith.constant 2 : i32
        %add3A_90 = arith.addi %add3A_88, %add3A_89 : i32
        %dma_start3A_91 = arith.constant 0 : i32
        %dma_start3A_92 = arith.constant 0 : i32
        %dma_start3A_93 = tpu.memref_slice %arg8[%dma_start3A_91, %dma_start3A_92] : memref<256x128xf32, #tpu.memory_space<vmem>> -> memref<128x128xf32, #tpu.memory_space<vmem>>
        %dma_start3A_94 = arith.constant 0 : i32
        %dma_start3A_95 = tpu.memref_slice %arg6[%add3A_90, %dma_start3A_94] : memref<40x128xi32, #tpu.memory_space<vmem>> -> memref<1x128xi32, #tpu.memory_space<vmem>>
        %dma_start3A_96 = tpu.memref_squeeze %dma_start3A_95 : memref<1x128xi32, #tpu.memory_space<vmem>> -> memref<128xi32, #tpu.memory_space<vmem>>
        %dma_start3A_97 = arith.constant 0 : i32
        %dma_start3A_98 = arith.constant 0 : i32
        %dma_start3A_99 = tpu.memref_slice %arg4[%dma_start3A_97, %dma_start3A_98] : memref<20480x128xf32, #tpu.memory_space<hbm>> -> memref<20480x128xf32, #tpu.memory_space<hbm>>
        tpu.enqueue_indirect_dma source(%dma_start3A_99 : memref<20480x128xf32, #tpu.memory_space<hbm>>) target(%dma_start3A_93 : memref<128x128xf32, #tpu.memory_space<vmem>>) offsets(%dma_start3A_96 : memref<128xi32, #tpu.memory_space<vmem>>) semaphore(%arg10 : memref<!tpu.dma_semaphore, #tpu.memory_space<semaphore_mem>>)
        %dma_wait3A_100 = arith.constant 0 : i32
        %dma_wait3A_101 = arith.constant 128 : i32
        %dma_wait3A_102 = arith.constant 0 : i32
        %dma_wait3A_103 = tpu.memref_slice %arg8[%dma_wait3A_101, %dma_wait3A_102] : memref<256x128xf32, #tpu.memory_space<vmem>> -> memref<128x128xf32, #tpu.memory_space<vmem>>
        %dma_wait3A_104 = arith.constant 0 : i32
        %dma_wait3A_105 = tpu.memref_slice %arg6[%dma_wait3A_100, %dma_wait3A_104] : memref<40x128xi32, #tpu.memory_space<vmem>> -> memref<1x128xi32, #tpu.memory_space<vmem>>
        %dma_wait3A_106 = tpu.memref_squeeze %dma_wait3A_105 : memref<1x128xi32, #tpu.memory_space<vmem>> -> memref<128xi32, #tpu.memory_space<vmem>>
        %dma_wait3A_107 = arith.constant 0 : i32
        %dma_wait3A_108 = arith.constant 0 : i32
        %dma_wait3A_109 = tpu.memref_slice %arg4[%dma_wait3A_107, %dma_wait3A_108] : memref<20480x128xf32, #tpu.memory_space<hbm>> -> memref<20480x128xf32, #tpu.memory_space<hbm>>
        tpu.wait_indirect_dma semaphore(%arg11 : memref<!tpu.dma_semaphore, #tpu.memory_space<semaphore_mem>>) src(%dma_wait3A_109 : memref<20480x128xf32, #tpu.memory_space<hbm>>) dst(%dma_wait3A_103 : memref<128x128xf32, #tpu.memory_space<vmem>>)
        %add3A_110 = arith.constant 1 : i32
        %add3A_111 = arith.addi %add3A_74, %add3A_110 : i32
        "tpu.region"() ({
          %run_scoped3A_125 = tpu.sem_alloc : memref<!tpu.dma_semaphore, #tpu.memory_space<semaphore_mem>>
          %dma_start3A_126 = arith.constant 128 : i32
          %dma_start3A_127 = arith.constant 0 : i32
          %dma_start3A_128 = tpu.memref_slice %arg8[%dma_start3A_126, %dma_start3A_127] : memref<256x128xf32, #tpu.memory_space<vmem>> -> memref<128x128xf32, #tpu.memory_space<vmem>>
          %dma_start3A_129 = arith.constant 0 : i32
          %dma_start3A_130 = tpu.memref_slice %arg7[%add3A_111, %dma_start3A_129] : memref<40x128xi32, #tpu.memory_space<vmem>> -> memref<1x128xi32, #tpu.memory_space<vmem>>
          %dma_start3A_131 = tpu.memref_squeeze %dma_start3A_130 : memref<1x128xi32, #tpu.memory_space<vmem>> -> memref<128xi32, #tpu.memory_space<vmem>>
          %dma_start3A_132 = arith.constant 0 : i32
          %dma_start3A_133 = arith.constant 0 : i32
          %dma_start3A_134 = tpu.memref_slice %arg9[%dma_start3A_132, %dma_start3A_133] : memref<10240x128xf32, #tpu.memory_space<vmem_shared>> -> memref<10240x128xf32, #tpu.memory_space<vmem_shared>>
          tpu.enqueue_indirect_dma source(%dma_start3A_128 : memref<128x128xf32, #tpu.memory_space<vmem>>) target(%dma_start3A_134 : memref<10240x128xf32, #tpu.memory_space<vmem_shared>>) offsets(%dma_start3A_131 : memref<128xi32, #tpu.memory_space<vmem>>) semaphore(%run_scoped3A_125 : memref<!tpu.dma_semaphore, #tpu.memory_space<semaphore_mem>>) {add = true}
          %dma_wait3A_135 = arith.constant 128 : i32
          %dma_wait3A_136 = arith.constant 0 : i32
          %dma_wait3A_137 = tpu.memref_slice %arg8[%dma_wait3A_135, %dma_wait3A_136] : memref<256x128xf32, #tpu.memory_space<vmem>> -> memref<128x128xf32, #tpu.memory_space<vmem>>
          %dma_wait3A_138 = arith.constant 0 : i32
          %dma_wait3A_139 = tpu.memref_slice %arg7[%add3A_111, %dma_wait3A_138] : memref<40x128xi32, #tpu.memory_space<vmem>> -> memref<1x128xi32, #tpu.memory_space<vmem>>
          %dma_wait3A_140 = tpu.memref_squeeze %dma_wait3A_139 : memref<1x128xi32, #tpu.memory_space<vmem>> -> memref<128xi32, #tpu.memory_space<vmem>>
          %dma_wait3A_141 = arith.constant 0 : i32
          %dma_wait3A_142 = arith.constant 0 : i32
          %dma_wait3A_143 = tpu.memref_slice %arg9[%dma_wait3A_141, %dma_wait3A_142] : memref<10240x128xf32, #tpu.memory_space<vmem_shared>> -> memref<10240x128xf32, #tpu.memory_space<vmem_shared>>
          tpu.wait_indirect_dma semaphore(%run_scoped3A_125 : memref<!tpu.dma_semaphore, #tpu.memory_space<semaphore_mem>>) src(%dma_wait3A_137 : memref<128x128xf32, #tpu.memory_space<vmem>>) dst(%dma_wait3A_143 : memref<10240x128xf32, #tpu.memory_space<vmem_shared>>)
          tpu.yield
        }) : () -> ()
        %add3A_112 = arith.constant 1 : i32
        %add3A_113 = arith.addi %add3A_74, %add3A_112 : i32
        %add3A_114 = arith.constant 2 : i32
        %add3A_115 = arith.addi %add3A_113, %add3A_114 : i32
        %dma_start3A_116 = arith.constant 128 : i32
        %dma_start3A_117 = arith.constant 0 : i32
        %dma_start3A_118 = tpu.memref_slice %arg8[%dma_start3A_116, %dma_start3A_117] : memref<256x128xf32, #tpu.memory_space<vmem>> -> memref<128x128xf32, #tpu.memory_space<vmem>>
        %dma_start3A_119 = arith.constant 0 : i32
        %dma_start3A_120 = tpu.memref_slice %arg6[%add3A_115, %dma_start3A_119] : memref<40x128xi32, #tpu.memory_space<vmem>> -> memref<1x128xi32, #tpu.memory_space<vmem>>
        %dma_start3A_121 = tpu.memref_squeeze %dma_start3A_120 : memref<1x128xi32, #tpu.memory_space<vmem>> -> memref<128xi32, #tpu.memory_space<vmem>>
        %dma_start3A_122 = arith.constant 0 : i32
        %dma_start3A_123 = arith.constant 0 : i32
        %dma_start3A_124 = tpu.memref_slice %arg4[%dma_start3A_122, %dma_start3A_123] : memref<20480x128xf32, #tpu.memory_space<hbm>> -> memref<20480x128xf32, #tpu.memory_space<hbm>>
        tpu.enqueue_indirect_dma source(%dma_start3A_124 : memref<20480x128xf32, #tpu.memory_space<hbm>>) target(%dma_start3A_118 : memref<128x128xf32, #tpu.memory_space<vmem>>) offsets(%dma_start3A_121 : memref<128xi32, #tpu.memory_space<vmem>>) semaphore(%arg11 : memref<!tpu.dma_semaphore, #tpu.memory_space<semaphore_mem>>)
      }
      %scan3A_48 = arith.constant 19 : i32
      %dma_wait3A_49 = arith.constant 0 : i32
      %dma_wait3A_50 = arith.constant 0 : i32
      %dma_wait3A_51 = arith.constant 0 : i32
      %dma_wait3A_52 = tpu.memref_slice %arg8[%dma_wait3A_50, %dma_wait3A_51] : memref<256x128xf32, #tpu.memory_space<vmem>> -> memref<128x128xf32, #tpu.memory_space<vmem>>
      %dma_wait3A_53 = arith.constant 0 : i32
      %dma_wait3A_54 = tpu.memref_slice %arg6[%dma_wait3A_49, %dma_wait3A_53] : memref<40x128xi32, #tpu.memory_space<vmem>> -> memref<1x128xi32, #tpu.memory_space<vmem>>
      %dma_wait3A_55 = tpu.memref_squeeze %dma_wait3A_54 : memref<1x128xi32, #tpu.memory_space<vmem>> -> memref<128xi32, #tpu.memory_space<vmem>>
      %dma_wait3A_56 = arith.constant 0 : i32
      %dma_wait3A_57 = arith.constant 0 : i32
      %dma_wait3A_58 = tpu.memref_slice %arg4[%dma_wait3A_56, %dma_wait3A_57] : memref<20480x128xf32, #tpu.memory_space<hbm>> -> memref<20480x128xf32, #tpu.memory_space<hbm>>
      tpu.wait_indirect_dma semaphore(%arg10 : memref<!tpu.dma_semaphore, #tpu.memory_space<semaphore_mem>>) src(%dma_wait3A_58 : memref<20480x128xf32, #tpu.memory_space<hbm>>) dst(%dma_wait3A_52 : memref<128x128xf32, #tpu.memory_space<vmem>>)
      %run_scoped3A = arith.constant 38 : i32
      "tpu.region"() ({
        %run_scoped3A_70 = tpu.sem_alloc : memref<!tpu.dma_semaphore, #tpu.memory_space<semaphore_mem>>
        %dma_start3A_71 = arith.constant 0 : i32
        %dma_start3A_72 = arith.constant 0 : i32
        %dma_start3A_73 = tpu.memref_slice %arg8[%dma_start3A_71, %dma_start3A_72] : memref<256x128xf32, #tpu.memory_space<vmem>> -> memref<128x128xf32, #tpu.memory_space<vmem>>
        %dma_start3A_74 = arith.constant 0 : i32
        %dma_start3A_75 = tpu.memref_slice %arg7[%run_scoped3A, %dma_start3A_74] : memref<40x128xi32, #tpu.memory_space<vmem>> -> memref<1x128xi32, #tpu.memory_space<vmem>>
        %dma_start3A_76 = tpu.memref_squeeze %dma_start3A_75 : memref<1x128xi32, #tpu.memory_space<vmem>> -> memref<128xi32, #tpu.memory_space<vmem>>
        %dma_start3A_77 = arith.constant 0 : i32
        %dma_start3A_78 = arith.constant 0 : i32
        %dma_start3A_79 = tpu.memref_slice %arg9[%dma_start3A_77, %dma_start3A_78] : memref<10240x128xf32, #tpu.memory_space<vmem_shared>> -> memref<10240x128xf32, #tpu.memory_space<vmem_shared>>
        tpu.enqueue_indirect_dma source(%dma_start3A_73 : memref<128x128xf32, #tpu.memory_space<vmem>>) target(%dma_start3A_79 : memref<10240x128xf32, #tpu.memory_space<vmem_shared>>) offsets(%dma_start3A_76 : memref<128xi32, #tpu.memory_space<vmem>>) semaphore(%run_scoped3A_70 : memref<!tpu.dma_semaphore, #tpu.memory_space<semaphore_mem>>) {add = true}
        %dma_wait3A_80 = arith.constant 0 : i32
        %dma_wait3A_81 = arith.constant 0 : i32
        %dma_wait3A_82 = tpu.memref_slice %arg8[%dma_wait3A_80, %dma_wait3A_81] : memref<256x128xf32, #tpu.memory_space<vmem>> -> memref<128x128xf32, #tpu.memory_space<vmem>>
        %dma_wait3A_83 = arith.constant 0 : i32
        %dma_wait3A_84 = tpu.memref_slice %arg7[%run_scoped3A, %dma_wait3A_83] : memref<40x128xi32, #tpu.memory_space<vmem>> -> memref<1x128xi32, #tpu.memory_space<vmem>>
        %dma_wait3A_85 = tpu.memref_squeeze %dma_wait3A_84 : memref<1x128xi32, #tpu.memory_space<vmem>> -> memref<128xi32, #tpu.memory_space<vmem>>
        %dma_wait3A_86 = arith.constant 0 : i32
        %dma_wait3A_87 = arith.constant 0 : i32
        %dma_wait3A_88 = tpu.memref_slice %arg9[%dma_wait3A_86, %dma_wait3A_87] : memref<10240x128xf32, #tpu.memory_space<vmem_shared>> -> memref<10240x128xf32, #tpu.memory_space<vmem_shared>>
        tpu.wait_indirect_dma semaphore(%run_scoped3A_70 : memref<!tpu.dma_semaphore, #tpu.memory_space<semaphore_mem>>) src(%dma_wait3A_82 : memref<128x128xf32, #tpu.memory_space<vmem>>) dst(%dma_wait3A_88 : memref<10240x128xf32, #tpu.memory_space<vmem_shared>>)
        tpu.yield
      }) : () -> ()
      %dma_wait3A_59 = arith.constant 0 : i32
      %dma_wait3A_60 = arith.constant 128 : i32
      %dma_wait3A_61 = arith.constant 0 : i32
      %dma_wait3A_62 = tpu.memref_slice %arg8[%dma_wait3A_60, %dma_wait3A_61] : memref<256x128xf32, #tpu.memory_space<vmem>> -> memref<128x128xf32, #tpu.memory_space<vmem>>
      %dma_wait3A_63 = arith.constant 0 : i32
      %dma_wait3A_64 = tpu.memref_slice %arg6[%dma_wait3A_59, %dma_wait3A_63] : memref<40x128xi32, #tpu.memory_space<vmem>> -> memref<1x128xi32, #tpu.memory_space<vmem>>
      %dma_wait3A_65 = tpu.memref_squeeze %dma_wait3A_64 : memref<1x128xi32, #tpu.memory_space<vmem>> -> memref<128xi32, #tpu.memory_space<vmem>>
      %dma_wait3A_66 = arith.constant 0 : i32
      %dma_wait3A_67 = arith.constant 0 : i32
      %dma_wait3A_68 = tpu.memref_slice %arg4[%dma_wait3A_66, %dma_wait3A_67] : memref<20480x128xf32, #tpu.memory_space<hbm>> -> memref<20480x128xf32, #tpu.memory_space<hbm>>
      tpu.wait_indirect_dma semaphore(%arg11 : memref<!tpu.dma_semaphore, #tpu.memory_space<semaphore_mem>>) src(%dma_wait3A_68 : memref<20480x128xf32, #tpu.memory_space<hbm>>) dst(%dma_wait3A_62 : memref<128x128xf32, #tpu.memory_space<vmem>>)
      %run_scoped3A_69 = arith.constant 39 : i32
      "tpu.region"() ({
        %run_scoped3A_70 = tpu.sem_alloc : memref<!tpu.dma_semaphore, #tpu.memory_space<semaphore_mem>>
        %dma_start3A_71 = arith.constant 128 : i32
        %dma_start3A_72 = arith.constant 0 : i32
        %dma_start3A_73 = tpu.memref_slice %arg8[%dma_start3A_71, %dma_start3A_72] : memref<256x128xf32, #tpu.memory_space<vmem>> -> memref<128x128xf32, #tpu.memory_space<vmem>>
        %dma_start3A_74 = arith.constant 0 : i32
        %dma_start3A_75 = tpu.memref_slice %arg7[%run_scoped3A_69, %dma_start3A_74] : memref<40x128xi32, #tpu.memory_space<vmem>> -> memref<1x128xi32, #tpu.memory_space<vmem>>
        %dma_start3A_76 = tpu.memref_squeeze %dma_start3A_75 : memref<1x128xi32, #tpu.memory_space<vmem>> -> memref<128xi32, #tpu.memory_space<vmem>>
        %dma_start3A_77 = arith.constant 0 : i32
        %dma_start3A_78 = arith.constant 0 : i32
        %dma_start3A_79 = tpu.memref_slice %arg9[%dma_start3A_77, %dma_start3A_78] : memref<10240x128xf32, #tpu.memory_space<vmem_shared>> -> memref<10240x128xf32, #tpu.memory_space<vmem_shared>>
        tpu.enqueue_indirect_dma source(%dma_start3A_73 : memref<128x128xf32, #tpu.memory_space<vmem>>) target(%dma_start3A_79 : memref<10240x128xf32, #tpu.memory_space<vmem_shared>>) offsets(%dma_start3A_76 : memref<128xi32, #tpu.memory_space<vmem>>) semaphore(%run_scoped3A_70 : memref<!tpu.dma_semaphore, #tpu.memory_space<semaphore_mem>>) {add = true}
        %dma_wait3A_80 = arith.constant 128 : i32
        %dma_wait3A_81 = arith.constant 0 : i32
        %dma_wait3A_82 = tpu.memref_slice %arg8[%dma_wait3A_80, %dma_wait3A_81] : memref<256x128xf32, #tpu.memory_space<vmem>> -> memref<128x128xf32, #tpu.memory_space<vmem>>
        %dma_wait3A_83 = arith.constant 0 : i32
        %dma_wait3A_84 = tpu.memref_slice %arg7[%run_scoped3A_69, %dma_wait3A_83] : memref<40x128xi32, #tpu.memory_space<vmem>> -> memref<1x128xi32, #tpu.memory_space<vmem>>
        %dma_wait3A_85 = tpu.memref_squeeze %dma_wait3A_84 : memref<1x128xi32, #tpu.memory_space<vmem>> -> memref<128xi32, #tpu.memory_space<vmem>>
        %dma_wait3A_86 = arith.constant 0 : i32
        %dma_wait3A_87 = arith.constant 0 : i32
        %dma_wait3A_88 = tpu.memref_slice %arg9[%dma_wait3A_86, %dma_wait3A_87] : memref<10240x128xf32, #tpu.memory_space<vmem_shared>> -> memref<10240x128xf32, #tpu.memory_space<vmem_shared>>
        tpu.wait_indirect_dma semaphore(%run_scoped3A_70 : memref<!tpu.dma_semaphore, #tpu.memory_space<semaphore_mem>>) src(%dma_wait3A_82 : memref<128x128xf32, #tpu.memory_space<vmem>>) dst(%dma_wait3A_88 : memref<10240x128xf32, #tpu.memory_space<vmem_shared>>)
        tpu.yield
      }) : () -> ()
    }
    %scan3A_13 = arith.constant 2 : i32
    %barrier3A_14 = arith.constant 0 : index
    tpu.barrier barrier_id(%barrier3A_14)
    "tpu.region"() ({
      %run_scoped3A = tpu.sem_alloc : memref<!tpu.dma_semaphore, #tpu.memory_space<semaphore_mem>>
      %dma_start3A_15 = arith.constant 0 : i32
      %dma_start3A_16 = tpu.memref_slice %arg5[%arg0, %mul3A_0, %dma_start3A_15] : memref<2x10240x128xf32, #tpu.memory_space<hbm>> -> memref<1x640x128xf32, #tpu.memory_space<hbm>>
      %dma_start3A_17 = tpu.memref_squeeze %dma_start3A_16 : memref<1x640x128xf32, #tpu.memory_space<hbm>> -> memref<640x128xf32, #tpu.memory_space<hbm>>
      %dma_start3A_18 = arith.constant 0 : i32
      %dma_start3A_19 = tpu.memref_slice %arg9[%mul3A_0, %dma_start3A_18] : memref<10240x128xf32, #tpu.memory_space<vmem_shared>> -> memref<640x128xf32, #tpu.memory_space<vmem_shared>>
      tpu.enqueue_dma source(%dma_start3A_19 : memref<640x128xf32, #tpu.memory_space<vmem_shared>>) target(%dma_start3A_17 : memref<640x128xf32, #tpu.memory_space<hbm>>) target_semaphore(%run_scoped3A : memref<!tpu.dma_semaphore, #tpu.memory_space<semaphore_mem>>)
      %dma_wait3A_20 = arith.constant 0 : i32
      %dma_wait3A_21 = tpu.memref_slice %arg5[%arg0, %mul3A_0, %dma_wait3A_20] : memref<2x10240x128xf32, #tpu.memory_space<hbm>> -> memref<1x640x128xf32, #tpu.memory_space<hbm>>
      %dma_wait3A_22 = tpu.memref_squeeze %dma_wait3A_21 : memref<1x640x128xf32, #tpu.memory_space<hbm>> -> memref<640x128xf32, #tpu.memory_space<hbm>>
      %dma_wait3A_23 = arith.constant 0 : i32
      %dma_wait3A_24 = tpu.memref_slice %arg9[%mul3A_0, %dma_wait3A_23] : memref<10240x128xf32, #tpu.memory_space<vmem_shared>> -> memref<640x128xf32, #tpu.memory_space<vmem_shared>>
      tpu.wait_dma2 semaphore(%run_scoped3A : memref<!tpu.dma_semaphore, #tpu.memory_space<semaphore_mem>>) src(%dma_wait3A_24 : memref<640x128xf32, #tpu.memory_space<vmem_shared>>) dst(%dma_wait3A_22 : memref<640x128xf32, #tpu.memory_space<hbm>>)
      tpu.yield
    }) : () -> ()
    return
  }
}

#map = affine_map<(d0, d1) -> (0, 0, 0, 0)>
#map1 = affine_map<(d0, d1) -> (0, 0, 0)>
#map2 = affine_map<(d0, d1) -> (0, 0)>
module attributes {stable_mosaic.version = 14 : i64} {
  func.func @_scatter_kernel(%arg0: i32, %arg1: i32, %arg2: memref<2x16x80x128xi32, #tpu.memory_space<hbm>>, %arg3: memref<16x80x128xi32, #tpu.memory_space<hbm>>, %arg4: memref<20480x128xf32, #tpu.memory_space<hbm>>, %arg5: memref<2x10240x128xf32, #tpu.memory_space<hbm>>, %arg6: memref<40x128xi32, #tpu.memory_space<vmem>>, %arg7: memref<40x128xi32, #tpu.memory_space<vmem>>, %arg8: memref<256x128xf32, #tpu.memory_space<vmem>>, %arg9: memref<10240x128xf32, #tpu.memory_space<vmem_shared>>, %arg10: memref<!tpu.dma_semaphore, #tpu.memory_space<semaphore_mem>>, %arg11: memref<!tpu.dma_semaphore, #tpu.memory_space<semaphore_mem>>, %arg12: memref<!tpu.dma_semaphore, #tpu.memory_space<semaphore_mem>>) attributes {dimension_semantics = [#tpu.dimension_semantics<core_parallel>, #tpu.dimension_semantics<subcore_parallel>], iteration_bounds = array<i64: 2, 16>, scalar_prefetch = 0 : i64, scratch_operands = 7 : i64, tpu.core_type = #tpu.core_type<sc_vector_subcore>, window_params = [{transform_indices = #map}, {transform_indices = #map1}, {transform_indices = #map2}, {transform_indices = #map1}]} {
    %mul3A = arith.constant 640 : i32
    %mul3A_0 = arith.muli %arg1, %mul3A : i32
    %mul3A_1 = arith.constant 10240 : i32
    %mul3A_2 = arith.muli %arg0, %mul3A_1 : i32
    %add3A = arith.addi %mul3A_2, %mul3A_0 : i32
    %dma_start3A = arith.constant 0 : i32
    %dma_start3A_3 = tpu.memref_slice %arg9[%mul3A_0, %dma_start3A] : memref<10240x128xf32, #tpu.memory_space<vmem_shared>> -> memref<640x128xf32, #tpu.memory_space<vmem_shared>>
    %dma_start3A_4 = arith.constant 0 : i32
    %dma_start3A_5 = tpu.memref_slice %arg4[%add3A, %dma_start3A_4] : memref<20480x128xf32, #tpu.memory_space<hbm>> -> memref<640x128xf32, #tpu.memory_space<hbm>>
    tpu.enqueue_dma source(%dma_start3A_5 : memref<640x128xf32, #tpu.memory_space<hbm>>) target(%dma_start3A_3 : memref<640x128xf32, #tpu.memory_space<vmem_shared>>) target_semaphore(%arg12 : memref<!tpu.dma_semaphore, #tpu.memory_space<semaphore_mem>>)
    %dma_wait3A = arith.constant 0 : i32
    %dma_wait3A_6 = tpu.memref_slice %arg9[%mul3A_0, %dma_wait3A] : memref<10240x128xf32, #tpu.memory_space<vmem_shared>> -> memref<640x128xf32, #tpu.memory_space<vmem_shared>>
    %dma_wait3A_7 = arith.constant 0 : i32
    %dma_wait3A_8 = arith.constant 0 : i32
    %dma_wait3A_9 = tpu.memref_slice %arg4[%dma_wait3A_7, %dma_wait3A_8] : memref<20480x128xf32, #tpu.memory_space<hbm>> -> memref<640x128xf32, #tpu.memory_space<hbm>>
    tpu.wait_dma2 semaphore(%arg12 : memref<!tpu.dma_semaphore, #tpu.memory_space<semaphore_mem>>) src(%dma_wait3A_9 : memref<640x128xf32, #tpu.memory_space<hbm>>) dst(%dma_wait3A_6 : memref<640x128xf32, #tpu.memory_space<vmem_shared>>)
    %barrier3A = arith.constant 0 : index
    tpu.barrier barrier_id(%barrier3A)
    %scan3A = arith.constant 0 : i32
    %scan3A_10 = arith.constant 2 : i32
    %scan3A_11 = arith.addi %scan3A, %scan3A_10 : i32
    %scan3A_12 = arith.constant 1 : i32
    scf.for %scan3A_15 = %scan3A to %scan3A_11 step %scan3A_12  : i32 {
      %mul3A_16 = arith.constant 1 : i32
      %mul3A_17 = arith.muli %scan3A_15, %mul3A_16 : i32
      %add3A_18 = arith.constant 0 : i32
      %add3A_19 = arith.addi %add3A_18, %mul3A_17 : i32
      %mul3A_20 = arith.constant 40 : i32
      %mul3A_21 = arith.muli %add3A_19, %mul3A_20 : i32
      "tpu.region"() ({
        %run_scoped3A_70 = tpu.sem_alloc : memref<!tpu.dma_semaphore, #tpu.memory_space<semaphore_mem>>
        %dma_start3A_71 = arith.constant 0 : i32
        %dma_start3A_72 = tpu.memref_slice %arg2[%arg0, %arg1, %mul3A_21, %dma_start3A_71] : memref<2x16x80x128xi32, #tpu.memory_space<hbm>> -> memref<1x1x40x128xi32, #tpu.memory_space<hbm>>
        %dma_start3A_73 = tpu.memref_squeeze %dma_start3A_72 : memref<1x1x40x128xi32, #tpu.memory_space<hbm>> -> memref<40x128xi32, #tpu.memory_space<hbm>>
        %dma_start3A_74 = arith.constant 0 : i32
        %dma_start3A_75 = tpu.memref_slice %arg2[%arg0, %arg1, %mul3A_21, %dma_start3A_74] : memref<2x16x80x128xi32, #tpu.memory_space<hbm>> -> memref<1x1x40x128xi32, #tpu.memory_space<hbm>>
        %dma_start3A_76 = tpu.memref_squeeze %dma_start3A_75 : memref<1x1x40x128xi32, #tpu.memory_space<hbm>> -> memref<40x128xi32, #tpu.memory_space<hbm>>
        tpu.enqueue_dma source(%dma_start3A_76 : memref<40x128xi32, #tpu.memory_space<hbm>>) target(%arg6 : memref<40x128xi32, #tpu.memory_space<vmem>>) target_semaphore(%run_scoped3A_70 : memref<!tpu.dma_semaphore, #tpu.memory_space<semaphore_mem>>)
        %dma_wait3A_77 = arith.constant 0 : i32
        %dma_wait3A_78 = tpu.memref_slice %arg2[%arg0, %arg1, %mul3A_21, %dma_wait3A_77] : memref<2x16x80x128xi32, #tpu.memory_space<hbm>> -> memref<1x1x40x128xi32, #tpu.memory_space<hbm>>
        %dma_wait3A_79 = tpu.memref_squeeze %dma_wait3A_78 : memref<1x1x40x128xi32, #tpu.memory_space<hbm>> -> memref<40x128xi32, #tpu.memory_space<hbm>>
        %dma_wait3A_80 = arith.constant 0 : i32
        %dma_wait3A_81 = tpu.memref_slice %arg2[%arg0, %arg1, %mul3A_21, %dma_wait3A_80] : memref<2x16x80x128xi32, #tpu.memory_space<hbm>> -> memref<1x1x40x128xi32, #tpu.memory_space<hbm>>
        %dma_wait3A_82 = tpu.memref_squeeze %dma_wait3A_81 : memref<1x1x40x128xi32, #tpu.memory_space<hbm>> -> memref<40x128xi32, #tpu.memory_space<hbm>>
        tpu.wait_dma2 semaphore(%run_scoped3A_70 : memref<!tpu.dma_semaphore, #tpu.memory_space<semaphore_mem>>) src(%dma_wait3A_82 : memref<40x128xi32, #tpu.memory_space<hbm>>) dst(%arg6 : memref<40x128xi32, #tpu.memory_space<vmem>>)
        tpu.yield
      }) : () -> ()
      %mul3A_22 = arith.constant 40 : i32
      %mul3A_23 = arith.muli %add3A_19, %mul3A_22 : i32
      "tpu.region"() ({
        %run_scoped3A_70 = tpu.sem_alloc : memref<!tpu.dma_semaphore, #tpu.memory_space<semaphore_mem>>
        %dma_start3A_71 = arith.constant 0 : i32
        %dma_start3A_72 = tpu.memref_slice %arg3[%arg1, %mul3A_23, %dma_start3A_71] : memref<16x80x128xi32, #tpu.memory_space<hbm>> -> memref<1x40x128xi32, #tpu.memory_space<hbm>>
        %dma_start3A_73 = tpu.memref_squeeze %dma_start3A_72 : memref<1x40x128xi32, #tpu.memory_space<hbm>> -> memref<40x128xi32, #tpu.memory_space<hbm>>
        %dma_start3A_74 = arith.constant 0 : i32
        %dma_start3A_75 = tpu.memref_slice %arg3[%arg1, %mul3A_23, %dma_start3A_74] : memref<16x80x128xi32, #tpu.memory_space<hbm>> -> memref<1x40x128xi32, #tpu.memory_space<hbm>>
        %dma_start3A_76 = tpu.memref_squeeze %dma_start3A_75 : memref<1x40x128xi32, #tpu.memory_space<hbm>> -> memref<40x128xi32, #tpu.memory_space<hbm>>
        tpu.enqueue_dma source(%dma_start3A_76 : memref<40x128xi32, #tpu.memory_space<hbm>>) target(%arg7 : memref<40x128xi32, #tpu.memory_space<vmem>>) target_semaphore(%run_scoped3A_70 : memref<!tpu.dma_semaphore, #tpu.memory_space<semaphore_mem>>)
        %dma_wait3A_77 = arith.constant 0 : i32
        %dma_wait3A_78 = tpu.memref_slice %arg3[%arg1, %mul3A_23, %dma_wait3A_77] : memref<16x80x128xi32, #tpu.memory_space<hbm>> -> memref<1x40x128xi32, #tpu.memory_space<hbm>>
        %dma_wait3A_79 = tpu.memref_squeeze %dma_wait3A_78 : memref<1x40x128xi32, #tpu.memory_space<hbm>> -> memref<40x128xi32, #tpu.memory_space<hbm>>
        %dma_wait3A_80 = arith.constant 0 : i32
        %dma_wait3A_81 = tpu.memref_slice %arg3[%arg1, %mul3A_23, %dma_wait3A_80] : memref<16x80x128xi32, #tpu.memory_space<hbm>> -> memref<1x40x128xi32, #tpu.memory_space<hbm>>
        %dma_wait3A_82 = tpu.memref_squeeze %dma_wait3A_81 : memref<1x40x128xi32, #tpu.memory_space<hbm>> -> memref<40x128xi32, #tpu.memory_space<hbm>>
        tpu.wait_dma2 semaphore(%run_scoped3A_70 : memref<!tpu.dma_semaphore, #tpu.memory_space<semaphore_mem>>) src(%dma_wait3A_82 : memref<40x128xi32, #tpu.memory_space<hbm>>) dst(%arg7 : memref<40x128xi32, #tpu.memory_space<vmem>>)
        tpu.yield
      }) : () -> ()
      %dma_start3A_24 = arith.constant 0 : i32
      %dma_start3A_25 = arith.constant 0 : i32
      %dma_start3A_26 = arith.constant 0 : i32
      %dma_start3A_27 = tpu.memref_slice %arg8[%dma_start3A_25, %dma_start3A_26] : memref<256x128xf32, #tpu.memory_space<vmem>> -> memref<128x128xf32, #tpu.memory_space<vmem>>
      %dma_start3A_28 = arith.constant 0 : i32
      %dma_start3A_29 = tpu.memref_slice %arg6[%dma_start3A_24, %dma_start3A_28] : memref<40x128xi32, #tpu.memory_space<vmem>> -> memref<1x128xi32, #tpu.memory_space<vmem>>
      %dma_start3A_30 = tpu.memref_squeeze %dma_start3A_29 : memref<1x128xi32, #tpu.memory_space<vmem>> -> memref<128xi32, #tpu.memory_space<vmem>>
      %dma_start3A_31 = arith.constant 0 : i32
      %dma_start3A_32 = arith.constant 0 : i32
      %dma_start3A_33 = tpu.memref_slice %arg4[%dma_start3A_31, %dma_start3A_32] : memref<20480x128xf32, #tpu.memory_space<hbm>> -> memref<20480x128xf32, #tpu.memory_space<hbm>>
      tpu.enqueue_indirect_dma source(%dma_start3A_33 : memref<20480x128xf32, #tpu.memory_space<hbm>>) target(%dma_start3A_27 : memref<128x128xf32, #tpu.memory_space<vmem>>) offsets(%dma_start3A_30 : memref<128xi32, #tpu.memory_space<vmem>>) semaphore(%arg10 : memref<!tpu.dma_semaphore, #tpu.memory_space<semaphore_mem>>)
      %dma_start3A_34 = arith.constant 1 : i32
      %dma_start3A_35 = arith.constant 128 : i32
      %dma_start3A_36 = arith.constant 0 : i32
      %dma_start3A_37 = tpu.memref_slice %arg8[%dma_start3A_35, %dma_start3A_36] : memref<256x128xf32, #tpu.memory_space<vmem>> -> memref<128x128xf32, #tpu.memory_space<vmem>>
      %dma_start3A_38 = arith.constant 0 : i32
      %dma_start3A_39 = tpu.memref_slice %arg6[%dma_start3A_34, %dma_start3A_38] : memref<40x128xi32, #tpu.memory_space<vmem>> -> memref<1x128xi32, #tpu.memory_space<vmem>>
      %dma_start3A_40 = tpu.memref_squeeze %dma_start3A_39 : memref<1x128xi32, #tpu.memory_space<vmem>> -> memref<128xi32, #tpu.memory_space<vmem>>
      %dma_start3A_41 = arith.constant 0 : i32
      %dma_start3A_42 = arith.constant 0 : i32
      %dma_start3A_43 = tpu.memref_slice %arg4[%dma_start3A_41, %dma_start3A_42] : memref<20480x128xf32, #tpu.memory_space<hbm>> -> memref<20480x128xf32, #tpu.memory_space<hbm>>
      tpu.enqueue_indirect_dma source(%dma_start3A_43 : memref<20480x128xf32, #tpu.memory_space<hbm>>) target(%dma_start3A_37 : memref<128x128xf32, #tpu.memory_space<vmem>>) offsets(%dma_start3A_40 : memref<128xi32, #tpu.memory_space<vmem>>) semaphore(%arg11 : memref<!tpu.dma_semaphore, #tpu.memory_space<semaphore_mem>>)
      %scan3A_44 = arith.constant 0 : i32
      %scan3A_45 = arith.constant 19 : i32
      %scan3A_46 = arith.addi %scan3A_44, %scan3A_45 : i32
      %scan3A_47 = arith.constant 1 : i32
      scf.for %scan3A_70 = %scan3A_44 to %scan3A_46 step %scan3A_47  : i32 {
        %mul3A_71 = arith.constant 2 : i32
        %mul3A_72 = arith.muli %scan3A_70, %mul3A_71 : i32
        %add3A_73 = arith.constant 0 : i32
        %add3A_74 = arith.addi %add3A_73, %mul3A_72 : i32
        %dma_wait3A_75 = arith.constant 0 : i32
        %dma_wait3A_76 = arith.constant 0 : i32
        %dma_wait3A_77 = arith.constant 0 : i32
        %dma_wait3A_78 = tpu.memref_slice %arg8[%dma_wait3A_76, %dma_wait3A_77] : memref<256x128xf32, #tpu.memory_space<vmem>> -> memref<128x128xf32, #tpu.memory_space<vmem>>
        %dma_wait3A_79 = arith.constant 0 : i32
        %dma_wait3A_80 = tpu.memref_slice %arg6[%dma_wait3A_75, %dma_wait3A_79] : memref<40x128xi32, #tpu.memory_space<vmem>> -> memref<1x128xi32, #tpu.memory_space<vmem>>
        %dma_wait3A_81 = tpu.memref_squeeze %dma_wait3A_80 : memref<1x128xi32, #tpu.memory_space<vmem>> -> memref<128xi32, #tpu.memory_space<vmem>>
        %dma_wait3A_82 = arith.constant 0 : i32
        %dma_wait3A_83 = arith.constant 0 : i32
        %dma_wait3A_84 = tpu.memref_slice %arg4[%dma_wait3A_82, %dma_wait3A_83] : memref<20480x128xf32, #tpu.memory_space<hbm>> -> memref<20480x128xf32, #tpu.memory_space<hbm>>
        tpu.wait_indirect_dma semaphore(%arg10 : memref<!tpu.dma_semaphore, #tpu.memory_space<semaphore_mem>>) src(%dma_wait3A_84 : memref<20480x128xf32, #tpu.memory_space<hbm>>) dst(%dma_wait3A_78 : memref<128x128xf32, #tpu.memory_space<vmem>>)
        %add3A_85 = arith.constant 0 : i32
        %add3A_86 = arith.addi %add3A_74, %add3A_85 : i32
        "tpu.region"() ({
          %run_scoped3A_125 = tpu.sem_alloc : memref<!tpu.dma_semaphore, #tpu.memory_space<semaphore_mem>>
          %dma_start3A_126 = arith.constant 0 : i32
          %dma_start3A_127 = arith.constant 0 : i32
          %dma_start3A_128 = tpu.memref_slice %arg8[%dma_start3A_126, %dma_start3A_127] : memref<256x128xf32, #tpu.memory_space<vmem>> -> memref<128x128xf32, #tpu.memory_space<vmem>>
          %dma_start3A_129 = arith.constant 0 : i32
          %dma_start3A_130 = tpu.memref_slice %arg7[%add3A_86, %dma_start3A_129] : memref<40x128xi32, #tpu.memory_space<vmem>> -> memref<1x128xi32, #tpu.memory_space<vmem>>
          %dma_start3A_131 = tpu.memref_squeeze %dma_start3A_130 : memref<1x128xi32, #tpu.memory_space<vmem>> -> memref<128xi32, #tpu.memory_space<vmem>>
          %dma_start3A_132 = arith.constant 0 : i32
          %dma_start3A_133 = arith.constant 0 : i32
          %dma_start3A_134 = tpu.memref_slice %arg9[%dma_start3A_132, %dma_start3A_133] : memref<10240x128xf32, #tpu.memory_space<vmem_shared>> -> memref<10240x128xf32, #tpu.memory_space<vmem_shared>>
          tpu.enqueue_indirect_dma source(%dma_start3A_128 : memref<128x128xf32, #tpu.memory_space<vmem>>) target(%dma_start3A_134 : memref<10240x128xf32, #tpu.memory_space<vmem_shared>>) offsets(%dma_start3A_131 : memref<128xi32, #tpu.memory_space<vmem>>) semaphore(%run_scoped3A_125 : memref<!tpu.dma_semaphore, #tpu.memory_space<semaphore_mem>>) {add = true}
          %dma_wait3A_135 = arith.constant 0 : i32
          %dma_wait3A_136 = arith.constant 0 : i32
          %dma_wait3A_137 = tpu.memref_slice %arg8[%dma_wait3A_135, %dma_wait3A_136] : memref<256x128xf32, #tpu.memory_space<vmem>> -> memref<128x128xf32, #tpu.memory_space<vmem>>
          %dma_wait3A_138 = arith.constant 0 : i32
          %dma_wait3A_139 = tpu.memref_slice %arg7[%add3A_86, %dma_wait3A_138] : memref<40x128xi32, #tpu.memory_space<vmem>> -> memref<1x128xi32, #tpu.memory_space<vmem>>
          %dma_wait3A_140 = tpu.memref_squeeze %dma_wait3A_139 : memref<1x128xi32, #tpu.memory_space<vmem>> -> memref<128xi32, #tpu.memory_space<vmem>>
          %dma_wait3A_141 = arith.constant 0 : i32
          %dma_wait3A_142 = arith.constant 0 : i32
          %dma_wait3A_143 = tpu.memref_slice %arg9[%dma_wait3A_141, %dma_wait3A_142] : memref<10240x128xf32, #tpu.memory_space<vmem_shared>> -> memref<10240x128xf32, #tpu.memory_space<vmem_shared>>
          tpu.wait_indirect_dma semaphore(%run_scoped3A_125 : memref<!tpu.dma_semaphore, #tpu.memory_space<semaphore_mem>>) src(%dma_wait3A_137 : memref<128x128xf32, #tpu.memory_space<vmem>>) dst(%dma_wait3A_143 : memref<10240x128xf32, #tpu.memory_space<vmem_shared>>)
          tpu.yield
        }) : () -> ()
        %add3A_87 = arith.constant 0 : i32
        %add3A_88 = arith.addi %add3A_74, %add3A_87 : i32
        %add3A_89 = arith.constant 2 : i32
        %add3A_90 = arith.addi %add3A_88, %add3A_89 : i32
        %dma_start3A_91 = arith.constant 0 : i32
        %dma_start3A_92 = arith.constant 0 : i32
        %dma_start3A_93 = tpu.memref_slice %arg8[%dma_start3A_91, %dma_start3A_92] : memref<256x128xf32, #tpu.memory_space<vmem>> -> memref<128x128xf32, #tpu.memory_space<vmem>>
        %dma_start3A_94 = arith.constant 0 : i32
        %dma_start3A_95 = tpu.memref_slice %arg6[%add3A_90, %dma_start3A_94] : memref<40x128xi32, #tpu.memory_space<vmem>> -> memref<1x128xi32, #tpu.memory_space<vmem>>
        %dma_start3A_96 = tpu.memref_squeeze %dma_start3A_95 : memref<1x128xi32, #tpu.memory_space<vmem>> -> memref<128xi32, #tpu.memory_space<vmem>>
        %dma_start3A_97 = arith.constant 0 : i32
        %dma_start3A_98 = arith.constant 0 : i32
        %dma_start3A_99 = tpu.memref_slice %arg4[%dma_start3A_97, %dma_start3A_98] : memref<20480x128xf32, #tpu.memory_space<hbm>> -> memref<20480x128xf32, #tpu.memory_space<hbm>>
        tpu.enqueue_indirect_dma source(%dma_start3A_99 : memref<20480x128xf32, #tpu.memory_space<hbm>>) target(%dma_start3A_93 : memref<128x128xf32, #tpu.memory_space<vmem>>) offsets(%dma_start3A_96 : memref<128xi32, #tpu.memory_space<vmem>>) semaphore(%arg10 : memref<!tpu.dma_semaphore, #tpu.memory_space<semaphore_mem>>)
        %dma_wait3A_100 = arith.constant 0 : i32
        %dma_wait3A_101 = arith.constant 128 : i32
        %dma_wait3A_102 = arith.constant 0 : i32
        %dma_wait3A_103 = tpu.memref_slice %arg8[%dma_wait3A_101, %dma_wait3A_102] : memref<256x128xf32, #tpu.memory_space<vmem>> -> memref<128x128xf32, #tpu.memory_space<vmem>>
        %dma_wait3A_104 = arith.constant 0 : i32
        %dma_wait3A_105 = tpu.memref_slice %arg6[%dma_wait3A_100, %dma_wait3A_104] : memref<40x128xi32, #tpu.memory_space<vmem>> -> memref<1x128xi32, #tpu.memory_space<vmem>>
        %dma_wait3A_106 = tpu.memref_squeeze %dma_wait3A_105 : memref<1x128xi32, #tpu.memory_space<vmem>> -> memref<128xi32, #tpu.memory_space<vmem>>
        %dma_wait3A_107 = arith.constant 0 : i32
        %dma_wait3A_108 = arith.constant 0 : i32
        %dma_wait3A_109 = tpu.memref_slice %arg4[%dma_wait3A_107, %dma_wait3A_108] : memref<20480x128xf32, #tpu.memory_space<hbm>> -> memref<20480x128xf32, #tpu.memory_space<hbm>>
        tpu.wait_indirect_dma semaphore(%arg11 : memref<!tpu.dma_semaphore, #tpu.memory_space<semaphore_mem>>) src(%dma_wait3A_109 : memref<20480x128xf32, #tpu.memory_space<hbm>>) dst(%dma_wait3A_103 : memref<128x128xf32, #tpu.memory_space<vmem>>)
        %add3A_110 = arith.constant 1 : i32
        %add3A_111 = arith.addi %add3A_74, %add3A_110 : i32
        "tpu.region"() ({
          %run_scoped3A_125 = tpu.sem_alloc : memref<!tpu.dma_semaphore, #tpu.memory_space<semaphore_mem>>
          %dma_start3A_126 = arith.constant 128 : i32
          %dma_start3A_127 = arith.constant 0 : i32
          %dma_start3A_128 = tpu.memref_slice %arg8[%dma_start3A_126, %dma_start3A_127] : memref<256x128xf32, #tpu.memory_space<vmem>> -> memref<128x128xf32, #tpu.memory_space<vmem>>
          %dma_start3A_129 = arith.constant 0 : i32
          %dma_start3A_130 = tpu.memref_slice %arg7[%add3A_111, %dma_start3A_129] : memref<40x128xi32, #tpu.memory_space<vmem>> -> memref<1x128xi32, #tpu.memory_space<vmem>>
          %dma_start3A_131 = tpu.memref_squeeze %dma_start3A_130 : memref<1x128xi32, #tpu.memory_space<vmem>> -> memref<128xi32, #tpu.memory_space<vmem>>
          %dma_start3A_132 = arith.constant 0 : i32
          %dma_start3A_133 = arith.constant 0 : i32
          %dma_start3A_134 = tpu.memref_slice %arg9[%dma_start3A_132, %dma_start3A_133] : memref<10240x128xf32, #tpu.memory_space<vmem_shared>> -> memref<10240x128xf32, #tpu.memory_space<vmem_shared>>
          tpu.enqueue_indirect_dma source(%dma_start3A_128 : memref<128x128xf32, #tpu.memory_space<vmem>>) target(%dma_start3A_134 : memref<10240x128xf32, #tpu.memory_space<vmem_shared>>) offsets(%dma_start3A_131 : memref<128xi32, #tpu.memory_space<vmem>>) semaphore(%run_scoped3A_125 : memref<!tpu.dma_semaphore, #tpu.memory_space<semaphore_mem>>) {add = true}
          %dma_wait3A_135 = arith.constant 128 : i32
          %dma_wait3A_136 = arith.constant 0 : i32
          %dma_wait3A_137 = tpu.memref_slice %arg8[%dma_wait3A_135, %dma_wait3A_136] : memref<256x128xf32, #tpu.memory_space<vmem>> -> memref<128x128xf32, #tpu.memory_space<vmem>>
          %dma_wait3A_138 = arith.constant 0 : i32
          %dma_wait3A_139 = tpu.memref_slice %arg7[%add3A_111, %dma_wait3A_138] : memref<40x128xi32, #tpu.memory_space<vmem>> -> memref<1x128xi32, #tpu.memory_space<vmem>>
          %dma_wait3A_140 = tpu.memref_squeeze %dma_wait3A_139 : memref<1x128xi32, #tpu.memory_space<vmem>> -> memref<128xi32, #tpu.memory_space<vmem>>
          %dma_wait3A_141 = arith.constant 0 : i32
          %dma_wait3A_142 = arith.constant 0 : i32
          %dma_wait3A_143 = tpu.memref_slice %arg9[%dma_wait3A_141, %dma_wait3A_142] : memref<10240x128xf32, #tpu.memory_space<vmem_shared>> -> memref<10240x128xf32, #tpu.memory_space<vmem_shared>>
          tpu.wait_indirect_dma semaphore(%run_scoped3A_125 : memref<!tpu.dma_semaphore, #tpu.memory_space<semaphore_mem>>) src(%dma_wait3A_137 : memref<128x128xf32, #tpu.memory_space<vmem>>) dst(%dma_wait3A_143 : memref<10240x128xf32, #tpu.memory_space<vmem_shared>>)
          tpu.yield
        }) : () -> ()
        %add3A_112 = arith.constant 1 : i32
        %add3A_113 = arith.addi %add3A_74, %add3A_112 : i32
        %add3A_114 = arith.constant 2 : i32
        %add3A_115 = arith.addi %add3A_113, %add3A_114 : i32
        %dma_start3A_116 = arith.constant 128 : i32
        %dma_start3A_117 = arith.constant 0 : i32
        %dma_start3A_118 = tpu.memref_slice %arg8[%dma_start3A_116, %dma_start3A_117] : memref<256x128xf32, #tpu.memory_space<vmem>> -> memref<128x128xf32, #tpu.memory_space<vmem>>
        %dma_start3A_119 = arith.constant 0 : i32
        %dma_start3A_120 = tpu.memref_slice %arg6[%add3A_115, %dma_start3A_119] : memref<40x128xi32, #tpu.memory_space<vmem>> -> memref<1x128xi32, #tpu.memory_space<vmem>>
        %dma_start3A_121 = tpu.memref_squeeze %dma_start3A_120 : memref<1x128xi32, #tpu.memory_space<vmem>> -> memref<128xi32, #tpu.memory_space<vmem>>
        %dma_start3A_122 = arith.constant 0 : i32
        %dma_start3A_123 = arith.constant 0 : i32
        %dma_start3A_124 = tpu.memref_slice %arg4[%dma_start3A_122, %dma_start3A_123] : memref<20480x128xf32, #tpu.memory_space<hbm>> -> memref<20480x128xf32, #tpu.memory_space<hbm>>
        tpu.enqueue_indirect_dma source(%dma_start3A_124 : memref<20480x128xf32, #tpu.memory_space<hbm>>) target(%dma_start3A_118 : memref<128x128xf32, #tpu.memory_space<vmem>>) offsets(%dma_start3A_121 : memref<128xi32, #tpu.memory_space<vmem>>) semaphore(%arg11 : memref<!tpu.dma_semaphore, #tpu.memory_space<semaphore_mem>>)
      }
      %scan3A_48 = arith.constant 19 : i32
      %dma_wait3A_49 = arith.constant 0 : i32
      %dma_wait3A_50 = arith.constant 0 : i32
      %dma_wait3A_51 = arith.constant 0 : i32
      %dma_wait3A_52 = tpu.memref_slice %arg8[%dma_wait3A_50, %dma_wait3A_51] : memref<256x128xf32, #tpu.memory_space<vmem>> -> memref<128x128xf32, #tpu.memory_space<vmem>>
      %dma_wait3A_53 = arith.constant 0 : i32
      %dma_wait3A_54 = tpu.memref_slice %arg6[%dma_wait3A_49, %dma_wait3A_53] : memref<40x128xi32, #tpu.memory_space<vmem>> -> memref<1x128xi32, #tpu.memory_space<vmem>>
      %dma_wait3A_55 = tpu.memref_squeeze %dma_wait3A_54 : memref<1x128xi32, #tpu.memory_space<vmem>> -> memref<128xi32, #tpu.memory_space<vmem>>
      %dma_wait3A_56 = arith.constant 0 : i32
      %dma_wait3A_57 = arith.constant 0 : i32
      %dma_wait3A_58 = tpu.memref_slice %arg4[%dma_wait3A_56, %dma_wait3A_57] : memref<20480x128xf32, #tpu.memory_space<hbm>> -> memref<20480x128xf32, #tpu.memory_space<hbm>>
      tpu.wait_indirect_dma semaphore(%arg10 : memref<!tpu.dma_semaphore, #tpu.memory_space<semaphore_mem>>) src(%dma_wait3A_58 : memref<20480x128xf32, #tpu.memory_space<hbm>>) dst(%dma_wait3A_52 : memref<128x128xf32, #tpu.memory_space<vmem>>)
      %run_scoped3A = arith.constant 38 : i32
      "tpu.region"() ({
        %run_scoped3A_70 = tpu.sem_alloc : memref<!tpu.dma_semaphore, #tpu.memory_space<semaphore_mem>>
        %dma_start3A_71 = arith.constant 0 : i32
        %dma_start3A_72 = arith.constant 0 : i32
        %dma_start3A_73 = tpu.memref_slice %arg8[%dma_start3A_71, %dma_start3A_72] : memref<256x128xf32, #tpu.memory_space<vmem>> -> memref<128x128xf32, #tpu.memory_space<vmem>>
        %dma_start3A_74 = arith.constant 0 : i32
        %dma_start3A_75 = tpu.memref_slice %arg7[%run_scoped3A, %dma_start3A_74] : memref<40x128xi32, #tpu.memory_space<vmem>> -> memref<1x128xi32, #tpu.memory_space<vmem>>
        %dma_start3A_76 = tpu.memref_squeeze %dma_start3A_75 : memref<1x128xi32, #tpu.memory_space<vmem>> -> memref<128xi32, #tpu.memory_space<vmem>>
        %dma_start3A_77 = arith.constant 0 : i32
        %dma_start3A_78 = arith.constant 0 : i32
        %dma_start3A_79 = tpu.memref_slice %arg9[%dma_start3A_77, %dma_start3A_78] : memref<10240x128xf32, #tpu.memory_space<vmem_shared>> -> memref<10240x128xf32, #tpu.memory_space<vmem_shared>>
        tpu.enqueue_indirect_dma source(%dma_start3A_73 : memref<128x128xf32, #tpu.memory_space<vmem>>) target(%dma_start3A_79 : memref<10240x128xf32, #tpu.memory_space<vmem_shared>>) offsets(%dma_start3A_76 : memref<128xi32, #tpu.memory_space<vmem>>) semaphore(%run_scoped3A_70 : memref<!tpu.dma_semaphore, #tpu.memory_space<semaphore_mem>>) {add = true}
        %dma_wait3A_80 = arith.constant 0 : i32
        %dma_wait3A_81 = arith.constant 0 : i32
        %dma_wait3A_82 = tpu.memref_slice %arg8[%dma_wait3A_80, %dma_wait3A_81] : memref<256x128xf32, #tpu.memory_space<vmem>> -> memref<128x128xf32, #tpu.memory_space<vmem>>
        %dma_wait3A_83 = arith.constant 0 : i32
        %dma_wait3A_84 = tpu.memref_slice %arg7[%run_scoped3A, %dma_wait3A_83] : memref<40x128xi32, #tpu.memory_space<vmem>> -> memref<1x128xi32, #tpu.memory_space<vmem>>
        %dma_wait3A_85 = tpu.memref_squeeze %dma_wait3A_84 : memref<1x128xi32, #tpu.memory_space<vmem>> -> memref<128xi32, #tpu.memory_space<vmem>>
        %dma_wait3A_86 = arith.constant 0 : i32
        %dma_wait3A_87 = arith.constant 0 : i32
        %dma_wait3A_88 = tpu.memref_slice %arg9[%dma_wait3A_86, %dma_wait3A_87] : memref<10240x128xf32, #tpu.memory_space<vmem_shared>> -> memref<10240x128xf32, #tpu.memory_space<vmem_shared>>
        tpu.wait_indirect_dma semaphore(%run_scoped3A_70 : memref<!tpu.dma_semaphore, #tpu.memory_space<semaphore_mem>>) src(%dma_wait3A_82 : memref<128x128xf32, #tpu.memory_space<vmem>>) dst(%dma_wait3A_88 : memref<10240x128xf32, #tpu.memory_space<vmem_shared>>)
        tpu.yield
      }) : () -> ()
      %dma_wait3A_59 = arith.constant 0 : i32
      %dma_wait3A_60 = arith.constant 128 : i32
      %dma_wait3A_61 = arith.constant 0 : i32
      %dma_wait3A_62 = tpu.memref_slice %arg8[%dma_wait3A_60, %dma_wait3A_61] : memref<256x128xf32, #tpu.memory_space<vmem>> -> memref<128x128xf32, #tpu.memory_space<vmem>>
      %dma_wait3A_63 = arith.constant 0 : i32
      %dma_wait3A_64 = tpu.memref_slice %arg6[%dma_wait3A_59, %dma_wait3A_63] : memref<40x128xi32, #tpu.memory_space<vmem>> -> memref<1x128xi32, #tpu.memory_space<vmem>>
      %dma_wait3A_65 = tpu.memref_squeeze %dma_wait3A_64 : memref<1x128xi32, #tpu.memory_space<vmem>> -> memref<128xi32, #tpu.memory_space<vmem>>
      %dma_wait3A_66 = arith.constant 0 : i32
      %dma_wait3A_67 = arith.constant 0 : i32
      %dma_wait3A_68 = tpu.memref_slice %arg4[%dma_wait3A_66, %dma_wait3A_67] : memref<20480x128xf32, #tpu.memory_space<hbm>> -> memref<20480x128xf32, #tpu.memory_space<hbm>>
      tpu.wait_indirect_dma semaphore(%arg11 : memref<!tpu.dma_semaphore, #tpu.memory_space<semaphore_mem>>) src(%dma_wait3A_68 : memref<20480x128xf32, #tpu.memory_space<hbm>>) dst(%dma_wait3A_62 : memref<128x128xf32, #tpu.memory_space<vmem>>)
      %run_scoped3A_69 = arith.constant 39 : i32
      "tpu.region"() ({
        %run_scoped3A_70 = tpu.sem_alloc : memref<!tpu.dma_semaphore, #tpu.memory_space<semaphore_mem>>
        %dma_start3A_71 = arith.constant 128 : i32
        %dma_start3A_72 = arith.constant 0 : i32
        %dma_start3A_73 = tpu.memref_slice %arg8[%dma_start3A_71, %dma_start3A_72] : memref<256x128xf32, #tpu.memory_space<vmem>> -> memref<128x128xf32, #tpu.memory_space<vmem>>
        %dma_start3A_74 = arith.constant 0 : i32
        %dma_start3A_75 = tpu.memref_slice %arg7[%run_scoped3A_69, %dma_start3A_74] : memref<40x128xi32, #tpu.memory_space<vmem>> -> memref<1x128xi32, #tpu.memory_space<vmem>>
        %dma_start3A_76 = tpu.memref_squeeze %dma_start3A_75 : memref<1x128xi32, #tpu.memory_space<vmem>> -> memref<128xi32, #tpu.memory_space<vmem>>
        %dma_start3A_77 = arith.constant 0 : i32
        %dma_start3A_78 = arith.constant 0 : i32
        %dma_start3A_79 = tpu.memref_slice %arg9[%dma_start3A_77, %dma_start3A_78] : memref<10240x128xf32, #tpu.memory_space<vmem_shared>> -> memref<10240x128xf32, #tpu.memory_space<vmem_shared>>
        tpu.enqueue_indirect_dma source(%dma_start3A_73 : memref<128x128xf32, #tpu.memory_space<vmem>>) target(%dma_start3A_79 : memref<10240x128xf32, #tpu.memory_space<vmem_shared>>) offsets(%dma_start3A_76 : memref<128xi32, #tpu.memory_space<vmem>>) semaphore(%run_scoped3A_70 : memref<!tpu.dma_semaphore, #tpu.memory_space<semaphore_mem>>) {add = true}
        %dma_wait3A_80 = arith.constant 128 : i32
        %dma_wait3A_81 = arith.constant 0 : i32
        %dma_wait3A_82 = tpu.memref_slice %arg8[%dma_wait3A_80, %dma_wait3A_81] : memref<256x128xf32, #tpu.memory_space<vmem>> -> memref<128x128xf32, #tpu.memory_space<vmem>>
        %dma_wait3A_83 = arith.constant 0 : i32
        %dma_wait3A_84 = tpu.memref_slice %arg7[%run_scoped3A_69, %dma_wait3A_83] : memref<40x128xi32, #tpu.memory_space<vmem>> -> memref<1x128xi32, #tpu.memory_space<vmem>>
        %dma_wait3A_85 = tpu.memref_squeeze %dma_wait3A_84 : memref<1x128xi32, #tpu.memory_space<vmem>> -> memref<128xi32, #tpu.memory_space<vmem>>
        %dma_wait3A_86 = arith.constant 0 : i32
        %dma_wait3A_87 = arith.constant 0 : i32
        %dma_wait3A_88 = tpu.memref_slice %arg9[%dma_wait3A_86, %dma_wait3A_87] : memref<10240x128xf32, #tpu.memory_space<vmem_shared>> -> memref<10240x128xf32, #tpu.memory_space<vmem_shared>>
        tpu.wait_indirect_dma semaphore(%run_scoped3A_70 : memref<!tpu.dma_semaphore, #tpu.memory_space<semaphore_mem>>) src(%dma_wait3A_82 : memref<128x128xf32, #tpu.memory_space<vmem>>) dst(%dma_wait3A_88 : memref<10240x128xf32, #tpu.memory_space<vmem_shared>>)
        tpu.yield
      }) : () -> ()
    }
    %scan3A_13 = arith.constant 2 : i32
    %barrier3A_14 = arith.constant 0 : index
    tpu.barrier barrier_id(%barrier3A_14)
    "tpu.region"() ({
      %run_scoped3A = tpu.sem_alloc : memref<!tpu.dma_semaphore, #tpu.memory_space<semaphore_mem>>
      %dma_start3A_15 = arith.constant 0 : i32
      %dma_start3A_16 = tpu.memref_slice %arg5[%arg0, %mul3A_0, %dma_start3A_15] : memref<2x10240x128xf32, #tpu.memory_space<hbm>> -> memref<1x640x128xf32, #tpu.memory_space<hbm>>
      %dma_start3A_17 = tpu.memref_squeeze %dma_start3A_16 : memref<1x640x128xf32, #tpu.memory_space<hbm>> -> memref<640x128xf32, #tpu.memory_space<hbm>>
      %dma_start3A_18 = arith.constant 0 : i32
      %dma_start3A_19 = tpu.memref_slice %arg9[%mul3A_0, %dma_start3A_18] : memref<10240x128xf32, #tpu.memory_space<vmem_shared>> -> memref<640x128xf32, #tpu.memory_space<vmem_shared>>
      tpu.enqueue_dma source(%dma_start3A_19 : memref<640x128xf32, #tpu.memory_space<vmem_shared>>) target(%dma_start3A_17 : memref<640x128xf32, #tpu.memory_space<hbm>>) target_semaphore(%run_scoped3A : memref<!tpu.dma_semaphore, #tpu.memory_space<semaphore_mem>>)
      %dma_wait3A_20 = arith.constant 0 : i32
      %dma_wait3A_21 = tpu.memref_slice %arg5[%arg0, %mul3A_0, %dma_wait3A_20] : memref<2x10240x128xf32, #tpu.memory_space<hbm>> -> memref<1x640x128xf32, #tpu.memory_space<hbm>>
      %dma_wait3A_22 = tpu.memref_squeeze %dma_wait3A_21 : memref<1x640x128xf32, #tpu.memory_space<hbm>> -> memref<640x128xf32, #tpu.memory_space<hbm>>
      %dma_wait3A_23 = arith.constant 0 : i32
      %dma_wait3A_24 = tpu.memref_slice %arg9[%mul3A_0, %dma_wait3A_23] : memref<10240x128xf32, #tpu.memory_space<vmem_shared>> -> memref<640x128xf32, #tpu.memory_space<vmem_shared>>
      tpu.wait_dma2 semaphore(%run_scoped3A : memref<!tpu.dma_semaphore, #tpu.memory_space<semaphore_mem>>) src(%dma_wait3A_24 : memref<640x128xf32, #tpu.memory_space<vmem_shared>>) dst(%dma_wait3A_22 : memref<640x128xf32, #tpu.memory_space<hbm>>)
      tpu.yield
    }) : () -> ()
    return
  }
}

module attributes {stable_mosaic.version = 14 : i64} {
  func.func @_mm1_body(%arg0: memref<10000x256xf32, #tpu.memory_space<vmem>>, %arg1: memref<256x256xf32, #tpu.memory_space<vmem>>, %arg2: memref<10000x256xf32, #tpu.memory_space<vmem>>) attributes {dimension_semantics = [], scalar_prefetch = 0 : i64, scratch_operands = 0 : i64, tpu.core_type = #tpu.core_type<tc>} {
    %get3A = arith.constant 0 : index
    %get3A_0 = arith.constant 0 : index
    %get3A_1 = vector.load %arg0[%get3A, %get3A_0] : memref<10000x256xf32, #tpu.memory_space<vmem>>, vector<10000x256xf32>
    %get3A_2 = arith.constant 0 : index
    %get3A_3 = arith.constant 0 : index
    %get3A_4 = vector.load %arg1[%get3A_2, %get3A_3] : memref<256x256xf32, #tpu.memory_space<vmem>>, vector<256x256xf32>
    %dot_general3A = arith.constant dense<0.000000e+00> : vector<10000x256xf32>
    %dot_general3A_5 = tpu.matmul %get3A_1, %get3A_4, %dot_general3A {dimension_numbers = #tpu.dot_dimension_numbers<[1], [0], [0], [1], [0, 0, 1, 1], [], []>, transpose_lhs_hint = false} : vector<10000x256xf32>, vector<256x256xf32>, vector<10000x256xf32> -> vector<10000x256xf32>
    %swap3A = arith.constant 0 : index
    %swap3A_6 = arith.constant 0 : index
    %swap3A_7 = vector.load %arg2[%swap3A, %swap3A_6] : memref<10000x256xf32, #tpu.memory_space<vmem>>, vector<10000x256xf32>
    tpu.vector_store %arg2[%swap3A, %swap3A_6], %dot_general3A_5 {strides = array<i32>} : memref<10000x256xf32, #tpu.memory_space<vmem>>, vector<10000x256xf32>,
    return
  }
}

module attributes {stable_mosaic.version = 14 : i64} {
  func.func @_combine_body(%arg0: memref<10240x32xf32, #tpu.memory_space<vmem>>, %arg1: memref<10000x256xf32, #tpu.memory_space<vmem>>, %arg2: memref<20480x128xf32, #tpu.memory_space<vmem>>, %arg3: memref<10000x1xf32, #tpu.memory_space<vmem>>) attributes {dimension_semantics = [], scalar_prefetch = 0 : i64, scratch_operands = 0 : i64, tpu.core_type = #tpu.core_type<tc>} {
    %get3A = arith.constant 0 : index
    %get3A_0 = arith.constant 0 : index
    %get3A_1 = vector.load %arg0[%get3A, %get3A_0] : memref<10240x32xf32, #tpu.memory_space<vmem>>, vector<10240x32xf32>
    %reduce_sum3A = arith.constant dense<0.000000e+00> : vector<10240xf32>
    %reduce_sum3A_2 = vector.multi_reduction <add>, %get3A_1, %reduce_sum3A [1] : vector<10240x32xf32> to vector<10240xf32>
    %broadcast_in_dim3A = vector.shape_cast %reduce_sum3A_2 : vector<10240xf32> to vector<10240x1xf32>
    %slice3A = vector.extract_strided_slice %broadcast_in_dim3A {offsets = [0, 0], sizes = [10000, 1], strides = [1, 1]} : vector<10240x1xf32> to vector<10000x1xf32>
    %add3A = arith.constant 1.000000e+00 : f32
    %add3A_3 = vector.broadcast %add3A : f32 to vector<10000x1xf32>
    %add3A_4 = arith.addf %slice3A, %add3A_3 : vector<10000x1xf32>
    %rsqrt3A = math.rsqrt %add3A_4 : vector<10000x1xf32>
    %swap3A = arith.constant 0 : index
    %swap3A_5 = arith.constant 0 : index
    %swap3A_6 = vector.load %arg3[%swap3A, %swap3A_5] : memref<10000x1xf32, #tpu.memory_space<vmem>>, vector<10000x1xf32>
    tpu.vector_store %arg3[%swap3A, %swap3A_5], %rsqrt3A {strides = array<i32>} : memref<10000x1xf32, #tpu.memory_space<vmem>>, vector<10000x1xf32>,
    %get3A_7 = arith.constant 0 : index
    %get3A_8 = arith.constant 0 : index
    %get3A_9 = vector.load %arg1[%get3A_7, %get3A_8] : memref<10000x256xf32, #tpu.memory_space<vmem>>, vector<10000x256xf32>
    %mul3A = vector.broadcast %rsqrt3A : vector<10000x1xf32> to vector<10000x256xf32>
    %mul3A_10 = arith.mulf %get3A_9, %mul3A : vector<10000x256xf32>
    %slice3A_11 = vector.extract_strided_slice %mul3A_10 {offsets = [0, 0], sizes = [10000, 128], strides = [1, 1]} : vector<10000x256xf32> to vector<10000x128xf32>
    %swap3A_12 = arith.constant 0 : index
    %swap3A_13 = arith.constant 0 : index
    %swap3A_14 = vector.load %arg2[%swap3A_12, %swap3A_13] : memref<20480x128xf32, #tpu.memory_space<vmem>>, vector<10000x128xf32>
    tpu.vector_store %arg2[%swap3A_12, %swap3A_13], %slice3A_11 {strides = array<i32>} : memref<20480x128xf32, #tpu.memory_space<vmem>>, vector<10000x128xf32>,
    %slice3A_15 = vector.extract_strided_slice %mul3A_10 {offsets = [0, 128], sizes = [10000, 128], strides = [1, 1]} : vector<10000x256xf32> to vector<10000x128xf32>
    %swap3A_16 = arith.constant 10240 : index
    %swap3A_17 = arith.constant 0 : index
    %swap3A_18 = vector.load %arg2[%swap3A_16, %swap3A_17] : memref<20480x128xf32, #tpu.memory_space<vmem>>, vector<10000x128xf32>
    tpu.vector_store %arg2[%swap3A_16, %swap3A_17], %slice3A_15 {strides = array<i32>} : memref<20480x128xf32, #tpu.memory_space<vmem>>, vector<10000x128xf32>,
    %broadcast_in_dim3A_19 = arith.constant 0.000000e+00 : f32
    %broadcast_in_dim3A_20 = vector.broadcast %broadcast_in_dim3A_19 : f32 to vector<240x128xf32>
    %swap3A_21 = arith.constant 10000 : index
    %swap3A_22 = arith.constant 0 : index
    %swap3A_23 = vector.load %arg2[%swap3A_21, %swap3A_22] : memref<20480x128xf32, #tpu.memory_space<vmem>>, vector<240x128xf32>
    tpu.vector_store %arg2[%swap3A_21, %swap3A_22], %broadcast_in_dim3A_20 {strides = array<i32>} : memref<20480x128xf32, #tpu.memory_space<vmem>>, vector<240x128xf32>,
    %swap3A_24 = arith.constant 20240 : index
    %swap3A_25 = arith.constant 0 : index
    %swap3A_26 = vector.load %arg2[%swap3A_24, %swap3A_25] : memref<20480x128xf32, #tpu.memory_space<vmem>>, vector<240x128xf32>
    tpu.vector_store %arg2[%swap3A_24, %swap3A_25], %broadcast_in_dim3A_20 {strides = array<i32>} : memref<20480x128xf32, #tpu.memory_space<vmem>>, vector<240x128xf32>,
    return
  }
}

module attributes {stable_mosaic.version = 14 : i64} {
  func.func @_mid_body(%arg0: memref<10240x128xf32, #tpu.memory_space<vmem>>, %arg1: memref<10240x128xf32, #tpu.memory_space<vmem>>, %arg2: memref<10000x1xf32, #tpu.memory_space<vmem>>, %arg3: memref<1x256xf32, #tpu.memory_space<vmem>>, %arg4: memref<256x256xf32, #tpu.memory_space<vmem>>, %arg5: memref<20480x128xf32, #tpu.memory_space<vmem>>) attributes {dimension_semantics = [], scalar_prefetch = 0 : i64, scratch_operands = 0 : i64, tpu.core_type = #tpu.core_type<tc>} {
    %get3A = arith.constant 0 : index
    %get3A_0 = arith.constant 0 : index
    %get3A_1 = vector.load %arg2[%get3A, %get3A_0] : memref<10000x1xf32, #tpu.memory_space<vmem>>, vector<10000x1xf32>
    %get3A_2 = arith.constant 0 : index
    %get3A_3 = arith.constant 0 : index
    %get3A_4 = vector.load %arg0[%get3A_2, %get3A_3] : memref<10240x128xf32, #tpu.memory_space<vmem>>, vector<10000x128xf32>
    %get3A_5 = arith.constant 0 : index
    %get3A_6 = arith.constant 0 : index
    %get3A_7 = vector.load %arg1[%get3A_5, %get3A_6] : memref<10240x128xf32, #tpu.memory_space<vmem>>, vector<10000x128xf32>
    %concatenate3A = tpu.concatenate %get3A_4, %get3A_7 in 1 : vector<10000x128xf32>, vector<10000x128xf32> -> vector<10000x256xf32>
    %mul3A = vector.broadcast %get3A_1 : vector<10000x1xf32> to vector<10000x256xf32>
    %mul3A_8 = arith.mulf %concatenate3A, %mul3A : vector<10000x256xf32>
    %get3A_9 = arith.constant 0 : index
    %get3A_10 = arith.constant 0 : index
    %get3A_11 = vector.load %arg3[%get3A_9, %get3A_10] : memref<1x256xf32, #tpu.memory_space<vmem>>, vector<1x256xf32>
    %add3A = vector.broadcast %get3A_11 : vector<1x256xf32> to vector<10000x256xf32>
    %add3A_12 = arith.addf %mul3A_8, %add3A : vector<10000x256xf32>
    %max3A = arith.constant 0.000000e+00 : f32
    %max3A_13 = vector.broadcast %max3A : f32 to vector<10000x256xf32>
    %max3A_14 = arith.maximumf %add3A_12, %max3A_13 : vector<10000x256xf32>
    %get3A_15 = arith.constant 0 : index
    %get3A_16 = arith.constant 0 : index
    %get3A_17 = vector.load %arg4[%get3A_15, %get3A_16] : memref<256x256xf32, #tpu.memory_space<vmem>>, vector<256x256xf32>
    %dot_general3A = arith.constant dense<0.000000e+00> : vector<10000x256xf32>
    %dot_general3A_18 = tpu.matmul %max3A_14, %get3A_17, %dot_general3A {dimension_numbers = #tpu.dot_dimension_numbers<[1], [0], [0], [1], [0, 0, 1, 1], [], []>, transpose_lhs_hint = false} : vector<10000x256xf32>, vector<256x256xf32>, vector<10000x256xf32> -> vector<10000x256xf32>
    %mul3A_19 = vector.broadcast %get3A_1 : vector<10000x1xf32> to vector<10000x256xf32>
    %mul3A_20 = arith.mulf %dot_general3A_18, %mul3A_19 : vector<10000x256xf32>
    %slice3A = vector.extract_strided_slice %mul3A_20 {offsets = [0, 0], sizes = [10000, 128], strides = [1, 1]} : vector<10000x256xf32> to vector<10000x128xf32>
    %swap3A = arith.constant 0 : index
    %swap3A_21 = arith.constant 0 : index
    %swap3A_22 = vector.load %arg5[%swap3A, %swap3A_21] : memref<20480x128xf32, #tpu.memory_space<vmem>>, vector<10000x128xf32>
    tpu.vector_store %arg5[%swap3A, %swap3A_21], %slice3A {strides = array<i32>} : memref<20480x128xf32, #tpu.memory_space<vmem>>, vector<10000x128xf32>,
    %slice3A_23 = vector.extract_strided_slice %mul3A_20 {offsets = [0, 128], sizes = [10000, 128], strides = [1, 1]} : vector<10000x256xf32> to vector<10000x128xf32>
    %swap3A_24 = arith.constant 10240 : index
    %swap3A_25 = arith.constant 0 : index
    %swap3A_26 = vector.load %arg5[%swap3A_24, %swap3A_25] : memref<20480x128xf32, #tpu.memory_space<vmem>>, vector<10000x128xf32>
    tpu.vector_store %arg5[%swap3A_24, %swap3A_25], %slice3A_23 {strides = array<i32>} : memref<20480x128xf32, #tpu.memory_space<vmem>>, vector<10000x128xf32>,
    %broadcast_in_dim3A = arith.constant 0.000000e+00 : f32
    %broadcast_in_dim3A_27 = vector.broadcast %broadcast_in_dim3A : f32 to vector<240x128xf32>
    %swap3A_28 = arith.constant 10000 : index
    %swap3A_29 = arith.constant 0 : index
    %swap3A_30 = vector.load %arg5[%swap3A_28, %swap3A_29] : memref<20480x128xf32, #tpu.memory_space<vmem>>, vector<240x128xf32>
    tpu.vector_store %arg5[%swap3A_28, %swap3A_29], %broadcast_in_dim3A_27 {strides = array<i32>} : memref<20480x128xf32, #tpu.memory_space<vmem>>, vector<240x128xf32>,
    %swap3A_31 = arith.constant 20240 : index
    %swap3A_32 = arith.constant 0 : index
    %swap3A_33 = vector.load %arg5[%swap3A_31, %swap3A_32] : memref<20480x128xf32, #tpu.memory_space<vmem>>, vector<240x128xf32>
    tpu.vector_store %arg5[%swap3A_31, %swap3A_32], %broadcast_in_dim3A_27 {strides = array<i32>} : memref<20480x128xf32, #tpu.memory_space<vmem>>, vector<240x128xf32>,
    return
  }
}

module attributes {stable_mosaic.version = 14 : i64} {
  func.func @_final_body(%arg0: memref<10240x128xf32, #tpu.memory_space<vmem>>, %arg1: memref<10240x128xf32, #tpu.memory_space<vmem>>, %arg2: memref<10000x1xf32, #tpu.memory_space<vmem>>, %arg3: memref<1x256xf32, #tpu.memory_space<vmem>>, %arg4: memref<10000x256xf32, #tpu.memory_space<vmem>>) attributes {dimension_semantics = [], scalar_prefetch = 0 : i64, scratch_operands = 0 : i64, tpu.core_type = #tpu.core_type<tc>} {
    %get3A = arith.constant 0 : index
    %get3A_0 = arith.constant 0 : index
    %get3A_1 = vector.load %arg0[%get3A, %get3A_0] : memref<10240x128xf32, #tpu.memory_space<vmem>>, vector<10000x128xf32>
    %get3A_2 = arith.constant 0 : index
    %get3A_3 = arith.constant 0 : index
    %get3A_4 = vector.load %arg1[%get3A_2, %get3A_3] : memref<10240x128xf32, #tpu.memory_space<vmem>>, vector<10000x128xf32>
    %concatenate3A = tpu.concatenate %get3A_1, %get3A_4 in 1 : vector<10000x128xf32>, vector<10000x128xf32> -> vector<10000x256xf32>
    %get3A_5 = arith.constant 0 : index
    %get3A_6 = arith.constant 0 : index
    %get3A_7 = vector.load %arg2[%get3A_5, %get3A_6] : memref<10000x1xf32, #tpu.memory_space<vmem>>, vector<10000x1xf32>
    %mul3A = vector.broadcast %get3A_7 : vector<10000x1xf32> to vector<10000x256xf32>
    %mul3A_8 = arith.mulf %concatenate3A, %mul3A : vector<10000x256xf32>
    %get3A_9 = arith.constant 0 : index
    %get3A_10 = arith.constant 0 : index
    %get3A_11 = vector.load %arg3[%get3A_9, %get3A_10] : memref<1x256xf32, #tpu.memory_space<vmem>>, vector<1x256xf32>
    %add3A = vector.broadcast %get3A_11 : vector<1x256xf32> to vector<10000x256xf32>
    %add3A_12 = arith.addf %mul3A_8, %add3A : vector<10000x256xf32>
    %swap3A = arith.constant 0 : index
    %swap3A_13 = arith.constant 0 : index
    %swap3A_14 = vector.load %arg4[%swap3A, %swap3A_13] : memref<10000x256xf32, #tpu.memory_space<vmem>>, vector<10000x256xf32>
    tpu.vector_store %arg4[%swap3A, %swap3A_13], %add3A_12 {strides = array<i32>} : memref<10000x256xf32, #tpu.memory_space<vmem>>, vector<10000x256xf32>,
    return
  }
}

</mosaic_0001>

<sc_bundles>
// kernel: kernel.12.cloned.1.call-start
scs
__scs_entry_jumppad:
0x0: {  	(pc) =	sbr.rel $0x88, $3  }
0x1: {  	(tag) =	ssettag $0x0;
	lr =	simm.s32 $0x1  }
0x2: {  	[smem:$0x3F9B] =	sst lr;
	_ =	strace $0xD0000000  }
0x3: {  	_ = 	snop  }
0x4: {  	_ = 	snop  }
0x5: {  	_ = 	snop  }
0x6: {  	_ = 	snop  }
0x7: {  	_ = 	snop  }
__scs_overlays_trampoline_lowered:
0x8: {  	[smem:$0x3FAA] =	sst s0  }
0x9: {  	[smem:$0x3FAB] =	sst s1  }
0xa: {  	[smem:$0x3FAC] =	sst s2  }
0xb: {  	[smem:$0x3FAD] =	sst s3  }
0xc: {  	[smem:$0x3FAE] =	sst s4  }
0xd: {  	[smem:$0x3FAF] =	sst s5  }
0xe: {  	[smem:$0x3FB0] =	sst s6  }
0xf: {  	[smem:$0x3FB1] =	sst s7  }
0x10: {  	[smem:$0x3FB2] =	sst s8  }
0x11: {  	[smem:$0x3FB3] =	sst s9;
	s0 =	simm.s32 @!p0 $0x0  }
0x12: {  	s1 =	sld [smem:$0x3F99];
	s0 =	simm.s32 @p0 $0x1  }
0x13: {  	[smem:$0x3FB4] =	sst s0;
	s0 =	simm.s32 @!p1 $0x0  }
0x14: {  	s2 =	sld [smem:$0x3F98];
	s0 =	simm.s32 @p1 $0x1  }
0x15: {  	[smem:$0x3FB5] =	sst s0;
	s0 =	simm.s32 @!p2 $0x0  }
0x16: {  	s3 =	sld [smem:$0x3FDB];
	s0 =	simm.s32 @p2 $0x1  }
0x17: {  	s4 =	simm.s32 $0x1BF5;
	[smem:$0x3FB7] =	sst s0  }
0x18: {  	s0 =	sld [smem:$0x3F9A];
	_ =	swait.ge [sflag:s4], $0x0  }
0x19: {  	s7 =	sld [smem:$0x3F9B]  }
0x1a: {  	s8 =	sadd.s32 $0xFFFFE003, lr  }
0x1b: {  	s9 =	sadd.s32 $0xFFFFFEF7, lr;
	s5 =	simm.s32 $0xFFFFFFFF;
	p2 =	slt.u32 s8, $0xFFFFF086  }
0x1c: {  	p1 =	slt.u32 s9, $0xF7A;
	s5 =	simm.s32 @!p2 $0x0  }
0x1d: {  	s5 =	simm.s32 @p1 $0x1;
	p0 =	seq.s32 s7, s2  }
0x1e: {  	s7 =	smul.u32 @!p0 $0xF7A, s2;
	p2 =	seq.s32 @!p0 s5, $0x0  }
0x1f: {  	s9 =	smul.u32 $0xF7A, s1;
	s8 =	simm.s32 @!p0 $0x1BF5;
	p2 =	por !p2, p0  }
0x20: {  	[sflag:s8] =	ssyncset.s32 @!p0 $0xFFFFF086;
	s6 =	sadd.s32 @!p0 s3, s7;
	s7 =	simm.s32 @!p0 $0x108  }
0x21: {  	s3 =	sadd.s32 s3, s9;
	s6 =	sadd.s32 @!p0 $0x88, s6;
	s7 =	simm.s32 @p2 $0x1082  }
0x22: {  	[simem:s7], [sflag:s8] =	dma.local @!p0 [hbm:s6], $0xF7A  }
0x23: {  	s9 =	sor.u32 $0xD0000000, s2;
	s6 =	simm.s32 $0x108;
	_ =	swait.ge @!p0 [sflag:s8], $0x0  }
0x24: {  	s3 =	sadd.s32 $0x88, s3;
	s6 =	simm.s32 @!p1 $0x1082;
	[sflag:s4] =	ssyncset.s32 $0xFFFFF086  }
0x25: {  	[simem:s6], [sflag:s4] =	dma.local [hbm:s3], $0xF7A  }
0x26: {  	[smem:$0x3F9B] =	sst s1;
	(tag) =	ssettag s2;
	_ =	strace s9  }
0x27: {  	s1 =	sld [smem:$0x3FAB]  }
0x28: {  	s2 =	sld [smem:$0x3FAC]  }
0x29: {  	s4 =	sld [smem:$0x3FAE]  }
0x2a: {  	p0 =	seq.s32 s5, $0x0;
	s5 =	sld [smem:$0x3FAF]  }
0x2b: {  	s6 =	sld [smem:$0x3FB0]  }
0x2c: {  	s7 =	sld [smem:$0x3FB1]  }
0x2d: {  	s3 =	simm.s32 $0x108;
	s8 =	sld [smem:$0x3FB2]  }
0x2e: {  	s3 =	simm.s32 @!p0 $0x1082;
	s9 =	sld [smem:$0x3FB3]  }
0x2f: {  	lr =	sadd.s32 s0, s3;
	s0 =	sld [smem:$0x3FAA]  }
0x30: {  	s3 =	sld [smem:$0x3FAD]  }
0x31: {  	[smem:$0x3FB6] =	sst s10  }
0x32: {  	s10 =	sld [smem:$0x3FB4];
	_ =	sdelay $0x3  }
0x33: {  	p0 =	seq.s32 s10, $0x1;
	s10 =	sld [smem:$0x3FB6];
	_ =	sdelay $0x3  }
0x34: {  	[smem:$0x3FB6] =	sst s10  }
0x35: {  	s10 =	sld [smem:$0x3FB5];
	_ =	sdelay $0x3  }
0x36: {  	p1 =	seq.s32 s10, $0x1;
	s10 =	sld [smem:$0x3FB6];
	_ =	sdelay $0x3  }
0x37: {  	[smem:$0x3FB6] =	sst s10  }
0x38: {  	s10 =	sld [smem:$0x3FB7]  }
0x39: {  	_ = 	snop;
	(pc) =	sbr.ind lr, $3  }
0x3a: {  	_ = 	snop  }
0x3b: {  	_ = 	snop  }
0x3c: {  	p2 =	seq.s32 s10, $0x1;
	s10 =	sld [smem:$0x3FB6]  }
0x3d: {  	_ =	shalt  }
0x3e: {  	_ =	shalt  }
0x3f: {  	_ =	shalt  }
0x40: {  	_ =	shalt  }
0x41: {  	_ =	shalt  }
0x42: {  	_ =	shalt  }
0x43: {  	_ =	shalt  }
0x44: {  	_ =	shalt  }
0x45: {  	_ =	shalt  }
0x46: {  	_ =	shalt  }
0x47: {  	_ =	shalt  }
0x48: {  	_ =	shalt  }
0x49: {  	_ =	shalt  }
0x4a: {  	_ =	shalt  }
0x4b: {  	_ =	shalt  }
0x4c: {  	_ =	shalt  }
0x4d: {  	_ =	shalt  }
0x4e: {  	_ =	shalt  }
0x4f: {  	_ =	shalt  }
0x50: {  	_ =	shalt  }
0x51: {  	_ =	shalt  }
0x52: {  	_ =	shalt  }
0x53: {  	_ =	shalt  }
0x54: {  	_ =	shalt  }
0x55: {  	_ =	shalt  }
0x56: {  	_ =	shalt  }
0x57: {  	_ =	shalt  }
0x58: {  	_ =	shalt  }
0x59: {  	_ =	shalt  }
0x5a: {  	_ =	shalt  }
0x5b: {  	_ =	shalt  }
0x5c: {  	_ =	shalt  }
0x5d: {  	_ =	shalt  }
0x5e: {  	_ =	shalt  }
0x5f: {  	_ =	shalt  }
0x60: {  	_ =	shalt  }
0x61: {  	_ =	shalt  }
0x62: {  	_ =	shalt  }
0x63: {  	_ =	shalt  }
0x64: {  	_ =	shalt  }
0x65: {  	_ =	shalt  }
0x66: {  	_ =	shalt  }
0x67: {  	_ =	shalt  }
0x68: {  	_ =	shalt  }
0x69: {  	_ =	shalt  }
0x6a: {  	_ =	shalt  }
0x6b: {  	_ =	shalt  }
0x6c: {  	_ =	shalt  }
0x6d: {  	_ =	shalt  }
0x6e: {  	_ =	shalt  }
0x6f: {  	_ =	shalt  }
0x70: {  	_ =	shalt  }
0x71: {  	_ =	shalt  }
0x72: {  	_ =	shalt  }
0x73: {  	_ =	shalt  }
0x74: {  	_ =	shalt  }
0x75: {  	_ =	shalt  }
0x76: {  	_ =	shalt  }
0x77: {  	_ =	shalt  }
0x78: {  	_ =	shalt  }
0x79: {  	_ =	shalt  }
0x7a: {  	_ =	shalt  }
0x7b: {  	_ =	shalt  }
0x7c: {  	_ =	shalt  }
0x7d: {  	_ =	shalt  }
0x7e: {  	_ =	shalt  }
0x7f: {  	_ =	shalt  }
0x80: {  	_ =	shalt  }
0x81: {  	_ =	shalt  }
0x82: {  	_ =	shalt  }
0x83: {  	_ =	shalt  }
0x84: {  	_ =	shalt  }
0x85: {  	_ =	shalt  }
0x86: {  	_ =	shalt  }
0x87: {  	_ =	shalt  }
.Lfunc_end0:
.L_simem_size_0:
called_computation.1_lowered:
.L_overlay_start_0:
0x88: {  	s2 =	sld [smem:$0x3FD9]  }
0x89: {  	s3 =	sld [smem:$0x3FFE];
	_ =	sdelay $0x1  }
0x8a: {  	s1 =	srdreg.scid  }
0x8b: {  	s0 =	sand.u32 $0x1, s1  }
0x8c: {  	s16 =	sshll.u32 s0, $0xA;
	s2 =	sadd.s32 s3, s2  }
0x8d: {  	s2 =	sadd.s32 s2, s16  }
0x8e: {  	[smem:$0x3FC2] =	sst s2  }
0x8f: {  	_ = 	snop  }
0x90: {  	(tm) =	ssettm $0x1  }
0x91: {  	s17 =	sld [smem:$0x3FFB];
	_ =	sdelay $0x3  }
0x92: {  	_ =	strace s17  }
0x93: {  	s2 =	sld [smem:$0x3FFC];
	_ =	sdelay $0x3  }
0x94: {  	_ =	strace s2  }
0x95: {  	s2 =	sld [smem:$0x3FFD];
	_ =	sdelay $0x3  }
0x96: {  	_ =	strace s2  }
0x97: {  	_ =	strace $0x8FFFFFFF  }
0x98: {  	s18 =	sld [smem:$0x3FDB];
	_ =	sdelay $0x1  }
0x99: {  	s19 =	simm.s32 $_scs_section_size  }
0x9a: {  	s4 =	simm.s32 $_size__tile_overlayer_lowered;
	s5 =	simm.s32 $_tile_overlayer_lowered  }
0x9b: {  	s22 =	simm.s32 $0x1BFF;
	s21 =	sshll.u32 s5, $0x1;
	s2 =	sadd.s32 s19, s18  }
0x9c: {  	s6 =	simm.s32 $0x0;
	s20 =	sshll.u32 s4, $0x1;
	s4 =	sadd.s32 s21, s2  }
0x9d: {  	[timem:s6], [sflag:s22] =	dma.local [hbm:s4], s20  }
0x9e: {  	_ =	swait.ge [sflag:s22], s20  }
0x9f: {  	s3 =	ssub.s32 $0x0, s20;
	[sflag:s22] =	ssyncset.done $0x0  }
0xa0: {  	[sflag:s22] =	ssyncadd.s32 s3;
	_ =	sdelay $0x1  }
0xa1: {  	s23 =	simm.s32 $0x1B8B  }
0xa2: {  	_ =	swait.ge [sflag:s23], $0x1  }
0xa3: {  	[sflag:s23] =	ssyncset.done $0x0  }
0xa4: {  	s25 =	simm.s32 $0x1B8E;
	s24 =	sld [smem:$0x3FFE];
	[sflag:s23] =	ssyncadd.s32 $0xFFFFFFFF  }
0xa5: {  	s26 =	simm.s32 $execute0_lowered;
	[smem:$0x3FD2] =	sst s25  }
0xa6: {  	s4 =	sshll.u32 s26, $0x1;
	_ =	strace $0x80000049;
	[dreg:$0x1] =	wrdreg $0xFFFFFFFF  }
0xa7: {  	s28 =	simm.s32 $_size_execute0_lowered;
	s2 =	sadd.s32 s2, s4;
	[dreg:$0x0] =	wrdreg $0x0  }
0xa8: {  	s4 =	sshll.u32 s28, $0x1;
	[dreg:$0x2] =	wrdreg s2  }
0xa9: {  	[dreg:$0x3] =	wrdreg s4  }
0xaa: {  	[dreg:$0x4] =	wrdreg $0xC0  }
0xab: {  	_ =	task [dreg:s6], $0x5FFFF  }
0xac: {  	[dreg:$0x1] =	wrdreg $0xFFFFFFFF  }
0xad: {  	[dreg:$0x0] =	wrdreg $0x60  }
0xae: {  	[dreg:$0x2] =	wrdreg s24  }
0xaf: {  	[dreg:$0x3] =	wrdreg $0xA8000  }
0xb0: {  	[dreg:$0x4] =	wrdreg $0x9  }
0xb1: {  	_ =	task.clear_ibuf [dreg:s6], $0x5FFFF;
	_ =	strace $0x90000049  }
0xb2: {  	s29 =	simm.s32 $0x9;
	_ =	strace $0x8000004B  }
0xb3: {  	_ =	swait.ge [sflag:s29], $0x1  }
0xb4: {  	[sflag:s29] =	ssyncadd.s32 $0xFFFFFFFF  }
0xb5: {  	_ =	strace $0x9000004B  }
0xb6: {  	_ =	sfence  }
0xb7: {  	s30 =	sld [smem:$0x0];
	_ =	sdelay $0x2  }
0xb8: {  	s31 =	sshll.u32 s1, $0xD;
	s1 =	sshrl.u32 s1, $0x2  }
0xb9: {  	s3 =	sand.u32 $0x4000, s31;
	s1 =	sadd.s32 s1, s30  }
0xba: {  	s0 =	sor.u32 s3, s0;
	s1 =	sshll.u32 s1, $0x11  }
0xbb: {  	s0 =	sor.u32 s1, s0  }
0xbc: {  	s0 =	sadd.s32 $0x8F2B, s0  }
0xbd: {  	[sflag:s0] =	ssyncadd.remote.s32 $0x1  }
0xbe: {  	_ =	sfence.sel $0xFFFF  }
0xbf: {  	[dreg:$0x0] =	wrdreg $0xFFFFFFFF;
	(pc) =	sbr.abs _section_cstart, $3  }
0xc0: {  	[dreg:$0x1] =	wrdreg $0xFFFFFFFF  }
0xc1: {  	_ =	task.clear_ibuf [dreg:s6], $0x2FFFF;
	_ =	strace $0x9FFFFFFF  }
0xc2: {  	(tm) =	ssettm $0x7FFFFFFF  }
0xc3: {  	_ =	shalt  }
tec
execute0_lowered:
.L_overlay_start_1:
0x0: {  	(tag) =	ssettag $0x1  }
0x1: {  	s5 =	rddreg [dreg:$0x0]  }
0x2: {  	s2 =	rddreg [dreg:$0x1]  }
0x3: {  	s0 =	srdreg.scid;
	s1 =	rddreg [dreg:$0x2]  }
0x4: {  	s3 =	simm.s32 $0x0;
	s15 =	simm.s32 $0x3;
	s16 =	simm.s32 $0x4  }
0x5: {  	s17 =	simm.s32 $0x1400;
	s18 =	simm.s32 $0x80;
	s4 =	sand.u32 $0x1, s0  }
0x6: {  	s19 =	simm.s32 $0x2800;
	s0 =	stileid.u32;
	s6 =	smul.u32 $0x28000, s4  }
0x7: {  	s20 =	simm.s32 $0x6800;
	s21 =	simm.s32 $0x1;
	s7 =	smul.u32 $0x2800, s0  }
0x8: {  	s22 =	simm.s32 $0x2;
	s23 =	simm.s32 $0x2700;
	s8 =	smul.u32 $0x140000, s4  }
0x9: {  	s24 =	simm.s32 $0x2780;
	[smem:$0x7FF] =	sst s3;
	s9 =	smul.u32 $0x14000, s0  }
0xa: {  	_ =	strace $0x8000004A;
	s26 =	ssub.s32 $0x2, s4;
	s28 =	smul.u32 $0x50000, s0  }
0xb: {  	s4 =	sadd.s32 $0x11000, s5;
	s30 =	sshrl.u32 s26, $0x1;
	s6 =	sadd.s32 s7, s6  }
0xc: {  	s7 =	sshrl.u32 s7, $0x3;
	s25 =	sadd.s32 s9, s8;
	s11 =	ssub.s32 s26, s30  }
0xd: {  	s31 =	sshrl.u32 s28, $0x2;
	s10 =	sshrl.u32 s6, $0x3;
	s13 =	sadd.s32 s7, s5  }
0xe: {  	s7 =	sshrl.u32 s25, $0x3;
	s14 =	sadd.s32 s31, s2;
	s6 =	sadd.s32 s4, s6  }
0xf: {  	s9 =	smax.u32 s11, $0x1;
	s25 =	simm.s32 $0x0;
	s12 =	sadd.s32 s10, s5  }
0x10: {  	s29 =	sadd.s32 s7, s5;
	s5 =	sshll.u32 s0, $0x6;
	s11 =	sadd.s32 $0x2000, s13  }
0x11: {  	s13 =	sadd.s32 $0x2280, s13;
	s14 =	sshrl.u32 s14, $0x3;
	s7 =	sor.u32 $0x1C03, s5  }
0x12: {  	s8 =	sadd.s32 $0x61000, s29;
	s10 =	sadd.s32 $0x7000, s12;
	s12 =	sadd.s32 $0x7280, s12  }
.LBB2_1:
0x13: {  	[spmem:s14], [sflag:s7] =	dma.local [hbm:s6], $0x2800  }
0x14: {  	_ =	swait.ge [sflag:s15], $0x2800  }
0x15: {  	[sflag:s15] =	ssyncset.done $0x0  }
0x16: {  	[sflag:s15] =	ssyncadd.s32 $0xFFFFD800  }
0x17: {  	[bflag:$0x0] =	sbarrier.arrive $0xFFFF  }
0x18: {  	[tilespmem:s3], [sflag:$0x4] =	stream.linear.gather [hbm4b:s10+s3], $0x1400, $0x38;
	[tilespmem:$0x1E800] =	vst v63  }
0x19: {  	_ =	swait.ge [sflag:s16], $0x1400  }
0x1a: {  	[sflag:s16] =	ssyncset.done $0x0  }
0x1b: {  	[sflag:s16] =	ssyncadd.s32 $0xFFFFEC00  }
0x1c: {  	[tilespmem:s17], [sflag:$0x4] =	stream.linear.gather [hbm4b:s11+s3], $0x1400, $0x38;
	[tilespmem:$0x1E800] =	vst v63  }
0x1d: {  	_ =	swait.ge [sflag:s16], $0x1400  }
0x1e: {  	[sflag:s16] =	ssyncset.done $0x0  }
0x1f: {  	[sflag:s16] =	ssyncadd.s32 $0xFFFFEC00  }
0x20: {  	[tilespmem:s19], [sflag:$0x1] =	stream.indirect.gather [hbm4b:s4+s18], $0x80, s3, s18, $0xb8;
	[tilespmem:$0x1E800] =	vst v63  }
0x21: {  	_ = 	snop  }
0x22: {  	[tilespmem:s20], [sflag:$0x2] =	stream.indirect.gather [hbm4b:s4+s18], $0x80, s18, s18, $0xb8;
	[tilespmem:$0x1E800] =	vst v63  }
0x23: {  	_ =	swait.ge [sflag:s21], $0x4000  }
0x24: {  	[sflag:s21] =	ssyncset.done $0x0  }
0x25: {  	s26 =	simm.s32 $0x1400;
	[sflag:s21] =	ssyncadd.s32 $0xFFFFC000  }
0x26: {  	[spmem:s2] =	stream.indirect.scatter.add.f32 [tilespmem:s19], [sflag:$0x4], $0x80, s26, s18, $0xb8;
	[tilespmem:$0x1E800] =	vst v63  }
0x27: {  	_ =	swait.ge [sflag:s16], $0x4000  }
0x28: {  	[sflag:s16] =	ssyncset.done $0x0  }
0x29: {  	s30 =	simm.s32 $0x100;
	[sflag:s16] =	ssyncadd.s32 $0xFFFFC000  }
0x2a: {  	[tilespmem:s19], [sflag:$0x1] =	stream.indirect.gather [hbm4b:s4+s18], $0x80, s30, s18, $0xb8;
	[tilespmem:$0x1E800] =	vst v63  }
0x2b: {  	_ =	swait.ge [sflag:s22], $0x4000  }
0x2c: {  	[sflag:s22] =	ssyncset.done $0x0  }
0x2d: {  	s31 =	simm.s32 $0x1480;
	[sflag:s22] =	ssyncadd.s32 $0xFFFFC000  }
0x2e: {  	[spmem:s2] =	stream.indirect.scatter.add.f32 [tilespmem:s20], [sflag:$0x4], $0x80, s31, s18, $0xb8;
	[tilespmem:$0x1E800] =	vst v63  }
0x2f: {  	_ =	swait.ge [sflag:s16], $0x4000  }
0x30: {  	[sflag:s16] =	ssyncset.done $0x0  }
0x31: {  	s28 =	simm.s32 $0x180;
	s26 =	simm.s32 $0x400;
	[sflag:s16] =	ssyncadd.s32 $0xFFFFC000  }
.LBB2_2:
0x32: {  	[tilespmem:s20], [sflag:$0x2] =	stream.indirect.gather [hbm4b:s4+s18], $0x80, s28, s18, $0xb8;
	[tilespmem:$0x1E800] =	vst v63  }
0x33: {  	s28 =	smov.u32 s26  }
0x34: {  	p0 =	sne.s32 s26, $0x4800;
	s26 =	sadd.s32 $0x400, s26;
	_ =	swait.ge [sflag:s21], $0x4000  }
0x35: {  	s28 =	sshra.s32 s28, $0x2;
	[sflag:s21] =	ssyncset.done $0x0  }
0x36: {  	s29 =	sadd.s32 $0x1400, s28;
	[sflag:s21] =	ssyncadd.s32 $0xFFFFC000  }
0x37: {  	[spmem:s2] =	stream.indirect.scatter.add.f32 [tilespmem:s19], [sflag:$0x4], $0x80, s29, s18, $0xb8;
	[tilespmem:$0x1E800] =	vst v63  }
0x38: {  	_ =	swait.ge [sflag:s16], $0x4000  }
0x39: {  	[sflag:s16] =	ssyncset.done $0x0  }
0x3a: {  	s29 =	sadd.s32 $0x100, s28;
	[sflag:s16] =	ssyncadd.s32 $0xFFFFC000  }
0x3b: {  	[tilespmem:s19], [sflag:$0x1] =	stream.indirect.gather [hbm4b:s4+s18], $0x80, s29, s18, $0xb8;
	[tilespmem:$0x1E800] =	vst v63  }
0x3c: {  	_ =	swait.ge [sflag:s22], $0x4000  }
0x3d: {  	[sflag:s22] =	ssyncset.done $0x0  }
.Ltmp0:
0x3e: {  	s29 =	sadd.s32 $0x1480, s28;
	[sflag:s22] =	ssyncadd.s32 $0xFFFFC000;
	(pc) =	sbr.rel @p0 .LBB2_2-.Ltmp0, $4  }
0x3f: {  	[spmem:s2] =	stream.indirect.scatter.add.f32 [tilespmem:s20], [sflag:$0x4], $0x80, s29, s18, $0xb8;
	[tilespmem:$0x1E800] =	vst v63  }
0x40: {  	_ =	swait.ge [sflag:s16], $0x4000  }
0x41: {  	[sflag:s16] =	ssyncset.done $0x0  }
0x42: {  	s28 =	sadd.s32 $0x180, s28;
	[sflag:s16] =	ssyncadd.s32 $0xFFFFC000  }
0x43: {  	[tilespmem:s20], [sflag:$0x2] =	stream.indirect.gather [hbm4b:s4+s18], $0x80, s28, s18, $0xb8;
	[tilespmem:$0x1E800] =	vst v63  }
0x44: {  	_ =	swait.ge [sflag:s21], $0x4000  }
0x45: {  	[sflag:s21] =	ssyncset.done $0x0  }
0x46: {  	[sflag:s21] =	ssyncadd.s32 $0xFFFFC000  }
0x47: {  	[spmem:s2] =	stream.indirect.scatter.add.f32 [tilespmem:s19], [sflag:$0x4], $0x80, s23, s18, $0xb8;
	[tilespmem:$0x1E800] =	vst v63  }
0x48: {  	_ =	swait.ge [sflag:s16], $0x4000  }
0x49: {  	[sflag:s16] =	ssyncset.done $0x0  }
0x4a: {  	[sflag:s16] =	ssyncadd.s32 $0xFFFFC000  }
0x4b: {  	_ =	swait.ge [sflag:s22], $0x4000  }
0x4c: {  	[sflag:s22] =	ssyncset.done $0x0  }
0x4d: {  	[sflag:s22] =	ssyncadd.s32 $0xFFFFC000  }
0x4e: {  	[spmem:s2] =	stream.indirect.scatter.add.f32 [tilespmem:s20], [sflag:$0x4], $0x80, s24, s18, $0xb8;
	[tilespmem:$0x1E800] =	vst v63  }
0x4f: {  	_ =	swait.ge [sflag:s16], $0x4000  }
0x50: {  	[sflag:s16] =	ssyncset.done $0x0  }
0x51: {  	s26 =	simm.s32 $0x0;
	[sflag:s16] =	ssyncadd.s32 $0xFFFFC000  }
0x52: {  	[tilespmem:s26], [sflag:$0x4] =	stream.linear.gather [hbm4b:s12+s26], $0x1400, $0x38;
	[tilespmem:$0x1E800] =	vst v63  }
0x53: {  	_ =	swait.ge [sflag:s16], $0x1400  }
0x54: {  	[sflag:s16] =	ssyncset.done $0x0  }
0x55: {  	[sflag:s16] =	ssyncadd.s32 $0xFFFFEC00  }
0x56: {  	[tilespmem:s17], [sflag:$0x4] =	stream.linear.gather [hbm4b:s13+s26], $0x1400, $0x38;
	[tilespmem:$0x1E800] =	vst v63  }
0x57: {  	_ =	swait.ge [sflag:s16], $0x1400  }
0x58: {  	[sflag:s16] =	ssyncset.done $0x0  }
0x59: {  	[sflag:s16] =	ssyncadd.s32 $0xFFFFEC00  }
0x5a: {  	[tilespmem:s19], [sflag:$0x1] =	stream.indirect.gather [hbm4b:s4+s18], $0x80, s26, s18, $0xb8;
	[tilespmem:$0x1E800] =	vst v63  }
0x5b: {  	_ = 	snop  }
0x5c: {  	[tilespmem:s20], [sflag:$0x2] =	stream.indirect.gather [hbm4b:s4+s18], $0x80, s18, s18, $0xb8;
	[tilespmem:$0x1E800] =	vst v63  }
0x5d: {  	_ =	swait.ge [sflag:s21], $0x4000  }
0x5e: {  	[sflag:s21] =	ssyncset.done $0x0  }
0x5f: {  	s29 =	simm.s32 $0x1400;
	[sflag:s21] =	ssyncadd.s32 $0xFFFFC000  }
0x60: {  	[spmem:s2] =	stream.indirect.scatter.add.f32 [tilespmem:s19], [sflag:$0x4], $0x80, s29, s18, $0xb8;
	[tilespmem:$0x1E800] =	vst v63  }
0x61: {  	_ =	swait.ge [sflag:s16], $0x4000  }
0x62: {  	[sflag:s16] =	ssyncset.done $0x0  }
0x63: {  	s30 =	simm.s32 $0x100;
	[sflag:s16] =	ssyncadd.s32 $0xFFFFC000  }
0x64: {  	[tilespmem:s19], [sflag:$0x1] =	stream.indirect.gather [hbm4b:s4+s18], $0x80, s30, s18, $0xb8;
	[tilespmem:$0x1E800] =	vst v63  }
0x65: {  	_ =	swait.ge [sflag:s22], $0x4000  }
0x66: {  	[sflag:s22] =	ssyncset.done $0x0  }
0x67: {  	s31 =	simm.s32 $0x1480;
	[sflag:s22] =	ssyncadd.s32 $0xFFFFC000  }
0x68: {  	[spmem:s2] =	stream.indirect.scatter.add.f32 [tilespmem:s20], [sflag:$0x4], $0x80, s31, s18, $0xb8;
	[tilespmem:$0x1E800] =	vst v63  }
0x69: {  	_ =	swait.ge [sflag:s16], $0x4000  }
0x6a: {  	[sflag:s16] =	ssyncset.done $0x0  }
0x6b: {  	s28 =	simm.s32 $0x180;
	s26 =	simm.s32 $0x400;
	[sflag:s16] =	ssyncadd.s32 $0xFFFFC000  }
.LBB2_4:
0x6c: {  	[tilespmem:s20], [sflag:$0x2] =	stream.indirect.gather [hbm4b:s4+s18], $0x80, s28, s18, $0xb8;
	[tilespmem:$0x1E800] =	vst v63  }
0x6d: {  	s28 =	smov.u32 s26  }
0x6e: {  	p0 =	sne.s32 s26, $0x4800;
	s26 =	sadd.s32 $0x400, s26;
	_ =	swait.ge [sflag:s21], $0x4000  }
0x6f: {  	s28 =	sshra.s32 s28, $0x2;
	[sflag:s21] =	ssyncset.done $0x0  }
0x70: {  	s29 =	sadd.s32 $0x1400, s28;
	[sflag:s21] =	ssyncadd.s32 $0xFFFFC000  }
0x71: {  	[spmem:s2] =	stream.indirect.scatter.add.f32 [tilespmem:s19], [sflag:$0x4], $0x80, s29, s18, $0xb8;
	[tilespmem:$0x1E800] =	vst v63  }
0x72: {  	_ =	swait.ge [sflag:s16], $0x4000  }
0x73: {  	[sflag:s16] =	ssyncset.done $0x0  }
0x74: {  	s29 =	sadd.s32 $0x100, s28;
	[sflag:s16] =	ssyncadd.s32 $0xFFFFC000  }
0x75: {  	[tilespmem:s19], [sflag:$0x1] =	stream.indirect.gather [hbm4b:s4+s18], $0x80, s29, s18, $0xb8;
	[tilespmem:$0x1E800] =	vst v63  }
0x76: {  	_ =	swait.ge [sflag:s22], $0x4000  }
0x77: {  	[sflag:s22] =	ssyncset.done $0x0  }
.Ltmp1:
0x78: {  	s29 =	sadd.s32 $0x1480, s28;
	[sflag:s22] =	ssyncadd.s32 $0xFFFFC000;
	(pc) =	sbr.rel @p0 .LBB2_4-.Ltmp1, $4  }
0x79: {  	[spmem:s2] =	stream.indirect.scatter.add.f32 [tilespmem:s20], [sflag:$0x4], $0x80, s29, s18, $0xb8;
	[tilespmem:$0x1E800] =	vst v63  }
0x7a: {  	_ =	swait.ge [sflag:s16], $0x4000  }
0x7b: {  	[sflag:s16] =	ssyncset.done $0x0  }
0x7c: {  	s28 =	sadd.s32 $0x180, s28;
	[sflag:s16] =	ssyncadd.s32 $0xFFFFC000  }
0x7d: {  	[tilespmem:s20], [sflag:$0x2] =	stream.indirect.gather [hbm4b:s4+s18], $0x80, s28, s18, $0xb8;
	[tilespmem:$0x1E800] =	vst v63  }
0x7e: {  	_ =	swait.ge [sflag:s21], $0x4000  }
0x7f: {  	[sflag:s21] =	ssyncset.done $0x0  }
0x80: {  	[sflag:s21] =	ssyncadd.s32 $0xFFFFC000  }
0x81: {  	[spmem:s2] =	stream.indirect.scatter.add.f32 [tilespmem:s19], [sflag:$0x4], $0x80, s23, s18, $0xb8;
	[tilespmem:$0x1E800] =	vst v63  }
0x82: {  	_ =	swait.ge [sflag:s16], $0x4000  }
0x83: {  	[sflag:s16] =	ssyncset.done $0x0  }
0x84: {  	[sflag:s16] =	ssyncadd.s32 $0xFFFFC000  }
0x85: {  	_ =	swait.ge [sflag:s22], $0x4000  }
0x86: {  	[sflag:s22] =	ssyncset.done $0x0  }
0x87: {  	[sflag:s22] =	ssyncadd.s32 $0xFFFFC000  }
0x88: {  	[spmem:s2] =	stream.indirect.scatter.add.f32 [tilespmem:s20], [sflag:$0x4], $0x80, s24, s18, $0xb8;
	[tilespmem:$0x1E800] =	vst v63  }
0x89: {  	_ =	swait.ge [sflag:s16], $0x4000  }
0x8a: {  	s25 =	sadd.s32 $0x1, s25;
	[sflag:s16] =	ssyncset.done $0x0  }
0x8b: {  	p0 =	sne.s32 s25, s9;
	[sflag:s16] =	ssyncadd.s32 $0xFFFFC000  }
.Ltmp2:
0x8c: {  	s26 =	sor.u32 $0x1C04, s5;
	[bflag:$0x0] =	sbarrier.arrive $0xFFFF;
	(pc) =	sbr.rel @p0 .LBB2_1-.Ltmp2, $4  }
0x8d: {  	[hbm:s8], [sflag:s26] =	dma.local [spmem:s14], $0x2800  }
0x8e: {  	_ =	swait.ge [sflag:s16], $0x2800  }
0x8f: {  	[sflag:s16] =	ssyncset.done $0x0  }
0x90: {  	[sflag:s16] =	ssyncadd.s32 $0xFFFFD800  }
0x91: {  	_ =	sfence.sel $0x180000  }
0x92: {  	[bflag:$0x0] =	sbarrier.arrive $0xFFFF  }
0x93: {  	p0 =	sne.s32 s0, $0x0;
	_ =	strace $0x9000004A  }
0x94: {  	s0 =	sadd.s32 @!p0 $0x100000, s1;
	[bflag:$0x2] =	sbarrier.arrive $0xFFFF  }
0x95: {  	[sflag:s0] =	ssyncadd.tile.s32 @!p0 $0x1;
	_ =	shalt  }
.Lfunc_end2:
_tile_overlayer_lowered:
.L_overlay_start_2:
0x96: {  	(tag) =	ssettag $0x2  }
0x97: {  	s0 =	rddreg [dreg:$0x0];
	s2 =	stileid.u32  }
0x98: {  	s1 =	rddreg [dreg:$0x1];
	p0 =	sne.s32 s2, $0x0  }
0x99: {  	s3 =	rddreg [dreg:$0x2];
	[bflag:$0x3] =	sbarrier.arrive $0xFFFF;
	s2 =	simm.s32 @!p0 $0x1C04  }
0x9a: {  	[timem:s3], [sflag:s2] =	dma.local @!p0 [hbm:s0], s1  }
0x9b: {  	s0 =	simm.s32 @!p0 $0x4  }
0x9c: {  	_ =	swait.ge @!p0 [sflag:s0], s1  }
0x9d: {  	s1 =	ssub.s32 @!p0 $0x0, s1;
	[sflag:s0] =	ssyncset.done @!p0 $0x0  }
0x9e: {  	[sflag:s0] =	ssyncadd.s32 @!p0 s1  }
0x9f: {  	[bflag:$0x3] =	sbarrier.arrive $0xFFFF  }
0xa0: {  	_ =	shalt  }

// kernel: kernel.15.cloned.1.call-start
scs
__scs_entry_jumppad:
0x0: {  	(pc) =	sbr.rel $0x88, $3  }
0x1: {  	(tag) =	ssettag $0x0;
	lr =	simm.s32 $0x1  }
0x2: {  	[smem:$0x3F9B] =	sst lr;
	_ =	strace $0xD0000000  }
0x3: {  	_ = 	snop  }
0x4: {  	_ = 	snop  }
0x5: {  	_ = 	snop  }
0x6: {  	_ = 	snop  }
0x7: {  	_ = 	snop  }
__scs_overlays_trampoline_lowered:
0x8: {  	[smem:$0x3FAA] =	sst s0  }
0x9: {  	[smem:$0x3FAB] =	sst s1  }
0xa: {  	[smem:$0x3FAC] =	sst s2  }
0xb: {  	[smem:$0x3FAD] =	sst s3  }
0xc: {  	[smem:$0x3FAE] =	sst s4  }
0xd: {  	[smem:$0x3FAF] =	sst s5  }
0xe: {  	[smem:$0x3FB0] =	sst s6  }
0xf: {  	[smem:$0x3FB1] =	sst s7  }
0x10: {  	[smem:$0x3FB2] =	sst s8  }
0x11: {  	[smem:$0x3FB3] =	sst s9;
	s0 =	simm.s32 @!p0 $0x0  }
0x12: {  	s1 =	sld [smem:$0x3F99];
	s0 =	simm.s32 @p0 $0x1  }
0x13: {  	[smem:$0x3FB4] =	sst s0;
	s0 =	simm.s32 @!p1 $0x0  }
0x14: {  	s2 =	sld [smem:$0x3F98];
	s0 =	simm.s32 @p1 $0x1  }
0x15: {  	[smem:$0x3FB5] =	sst s0;
	s0 =	simm.s32 @!p2 $0x0  }
0x16: {  	s3 =	sld [smem:$0x3FDB];
	s0 =	simm.s32 @p2 $0x1  }
0x17: {  	s4 =	simm.s32 $0x1BF5;
	[smem:$0x3FB7] =	sst s0  }
0x18: {  	s0 =	sld [smem:$0x3F9A];
	_ =	swait.ge [sflag:s4], $0x0  }
0x19: {  	s7 =	sld [smem:$0x3F9B]  }
0x1a: {  	s8 =	sadd.s32 $0xFFFFE003, lr  }
0x1b: {  	s9 =	sadd.s32 $0xFFFFFEF7, lr;
	s5 =	simm.s32 $0xFFFFFFFF;
	p2 =	slt.u32 s8, $0xFFFFF086  }
0x1c: {  	p1 =	slt.u32 s9, $0xF7A;
	s5 =	simm.s32 @!p2 $0x0  }
0x1d: {  	s5 =	simm.s32 @p1 $0x1;
	p0 =	seq.s32 s7, s2  }
0x1e: {  	s7 =	smul.u32 @!p0 $0xF7A, s2;
	p2 =	seq.s32 @!p0 s5, $0x0  }
0x1f: {  	s9 =	smul.u32 $0xF7A, s1;
	s8 =	simm.s32 @!p0 $0x1BF5;
	p2 =	por !p2, p0  }
0x20: {  	[sflag:s8] =	ssyncset.s32 @!p0 $0xFFFFF086;
	s6 =	sadd.s32 @!p0 s3, s7;
	s7 =	simm.s32 @!p0 $0x108  }
0x21: {  	s3 =	sadd.s32 s3, s9;
	s6 =	sadd.s32 @!p0 $0x88, s6;
	s7 =	simm.s32 @p2 $0x1082  }
0x22: {  	[simem:s7], [sflag:s8] =	dma.local @!p0 [hbm:s6], $0xF7A  }
0x23: {  	s9 =	sor.u32 $0xD0000000, s2;
	s6 =	simm.s32 $0x108;
	_ =	swait.ge @!p0 [sflag:s8], $0x0  }
0x24: {  	s3 =	sadd.s32 $0x88, s3;
	s6 =	simm.s32 @!p1 $0x1082;
	[sflag:s4] =	ssyncset.s32 $0xFFFFF086  }
0x25: {  	[simem:s6], [sflag:s4] =	dma.local [hbm:s3], $0xF7A  }
0x26: {  	[smem:$0x3F9B] =	sst s1;
	(tag) =	ssettag s2;
	_ =	strace s9  }
0x27: {  	s1 =	sld [smem:$0x3FAB]  }
0x28: {  	s2 =	sld [smem:$0x3FAC]  }
0x29: {  	s4 =	sld [smem:$0x3FAE]  }
0x2a: {  	p0 =	seq.s32 s5, $0x0;
	s5 =	sld [smem:$0x3FAF]  }
0x2b: {  	s6 =	sld [smem:$0x3FB0]  }
0x2c: {  	s7 =	sld [smem:$0x3FB1]  }
0x2d: {  	s3 =	simm.s32 $0x108;
	s8 =	sld [smem:$0x3FB2]  }
0x2e: {  	s3 =	simm.s32 @!p0 $0x1082;
	s9 =	sld [smem:$0x3FB3]  }
0x2f: {  	lr =	sadd.s32 s0, s3;
	s0 =	sld [smem:$0x3FAA]  }
0x30: {  	s3 =	sld [smem:$0x3FAD]  }
0x31: {  	[smem:$0x3FB6] =	sst s10  }
0x32: {  	s10 =	sld [smem:$0x3FB4];
	_ =	sdelay $0x3  }
0x33: {  	p0 =	seq.s32 s10, $0x1;
	s10 =	sld [smem:$0x3FB6];
	_ =	sdelay $0x3  }
0x34: {  	[smem:$0x3FB6] =	sst s10  }
0x35: {  	s10 =	sld [smem:$0x3FB5];
	_ =	sdelay $0x3  }
0x36: {  	p1 =	seq.s32 s10, $0x1;
	s10 =	sld [smem:$0x3FB6];
	_ =	sdelay $0x3  }
0x37: {  	[smem:$0x3FB6] =	sst s10  }
0x38: {  	s10 =	sld [smem:$0x3FB7]  }
0x39: {  	_ = 	snop;
	(pc) =	sbr.ind lr, $3  }
0x3a: {  	_ = 	snop  }
0x3b: {  	_ = 	snop  }
0x3c: {  	p2 =	seq.s32 s10, $0x1;
	s10 =	sld [smem:$0x3FB6]  }
0x3d: {  	_ =	shalt  }
0x3e: {  	_ =	shalt  }
0x3f: {  	_ =	shalt  }
0x40: {  	_ =	shalt  }
0x41: {  	_ =	shalt  }
0x42: {  	_ =	shalt  }
0x43: {  	_ =	shalt  }
0x44: {  	_ =	shalt  }
0x45: {  	_ =	shalt  }
0x46: {  	_ =	shalt  }
0x47: {  	_ =	shalt  }
0x48: {  	_ =	shalt  }
0x49: {  	_ =	shalt  }
0x4a: {  	_ =	shalt  }
0x4b: {  	_ =	shalt  }
0x4c: {  	_ =	shalt  }
0x4d: {  	_ =	shalt  }
0x4e: {  	_ =	shalt  }
0x4f: {  	_ =	shalt  }
0x50: {  	_ =	shalt  }
0x51: {  	_ =	shalt  }
0x52: {  	_ =	shalt  }
0x53: {  	_ =	shalt  }
0x54: {  	_ =	shalt  }
0x55: {  	_ =	shalt  }
0x56: {  	_ =	shalt  }
0x57: {  	_ =	shalt  }
0x58: {  	_ =	shalt  }
0x59: {  	_ =	shalt  }
0x5a: {  	_ =	shalt  }
0x5b: {  	_ =	shalt  }
0x5c: {  	_ =	shalt  }
0x5d: {  	_ =	shalt  }
0x5e: {  	_ =	shalt  }
0x5f: {  	_ =	shalt  }
0x60: {  	_ =	shalt  }
0x61: {  	_ =	shalt  }
0x62: {  	_ =	shalt  }
0x63: {  	_ =	shalt  }
0x64: {  	_ =	shalt  }
0x65: {  	_ =	shalt  }
0x66: {  	_ =	shalt  }
0x67: {  	_ =	shalt  }
0x68: {  	_ =	shalt  }
0x69: {  	_ =	shalt  }
0x6a: {  	_ =	shalt  }
0x6b: {  	_ =	shalt  }
0x6c: {  	_ =	shalt  }
0x6d: {  	_ =	shalt  }
0x6e: {  	_ =	shalt  }
0x6f: {  	_ =	shalt  }
0x70: {  	_ =	shalt  }
0x71: {  	_ =	shalt  }
0x72: {  	_ =	shalt  }
0x73: {  	_ =	shalt  }
0x74: {  	_ =	shalt  }
0x75: {  	_ =	shalt  }
0x76: {  	_ =	shalt  }
0x77: {  	_ =	shalt  }
0x78: {  	_ =	shalt  }
0x79: {  	_ =	shalt  }
0x7a: {  	_ =	shalt  }
0x7b: {  	_ =	shalt  }
0x7c: {  	_ =	shalt  }
0x7d: {  	_ =	shalt  }
0x7e: {  	_ =	shalt  }
0x7f: {  	_ =	shalt  }
0x80: {  	_ =	shalt  }
0x81: {  	_ =	shalt  }
0x82: {  	_ =	shalt  }
0x83: {  	_ =	shalt  }
0x84: {  	_ =	shalt  }
0x85: {  	_ =	shalt  }
0x86: {  	_ =	shalt  }
0x87: {  	_ =	shalt  }
.Lfunc_end0:
.L_simem_size_0:
called_computation.2_lowered:
.L_overlay_start_0:
0x88: {  	s2 =	sld [smem:$0x3FD9]  }
0x89: {  	s3 =	sld [smem:$0x3FFE];
	_ =	sdelay $0x1  }
0x8a: {  	s1 =	srdreg.scid  }
0x8b: {  	s0 =	sand.u32 $0x1, s1  }
0x8c: {  	s16 =	sshll.u32 s0, $0xA;
	s2 =	sadd.s32 s3, s2  }
0x8d: {  	s2 =	sadd.s32 s2, s16  }
0x8e: {  	[smem:$0x3FC2] =	sst s2  }
0x8f: {  	_ = 	snop  }
0x90: {  	(tm) =	ssettm $0x1  }
0x91: {  	s17 =	sld [smem:$0x3FFB];
	_ =	sdelay $0x3  }
0x92: {  	_ =	strace s17  }
0x93: {  	s2 =	sld [smem:$0x3FFC];
	_ =	sdelay $0x3  }
0x94: {  	_ =	strace s2  }
0x95: {  	s2 =	sld [smem:$0x3FFD];
	_ =	sdelay $0x3  }
0x96: {  	_ =	strace s2  }
0x97: {  	_ =	strace $0x8FFFFFFF  }
0x98: {  	s18 =	sld [smem:$0x3FDB];
	_ =	sdelay $0x1  }
0x99: {  	s19 =	simm.s32 $_scs_section_size  }
0x9a: {  	s4 =	simm.s32 $_size__tile_overlayer_lowered;
	s5 =	simm.s32 $_tile_overlayer_lowered  }
0x9b: {  	s22 =	simm.s32 $0x1BFF;
	s21 =	sshll.u32 s5, $0x1;
	s2 =	sadd.s32 s19, s18  }
0x9c: {  	s6 =	simm.s32 $0x0;
	s20 =	sshll.u32 s4, $0x1;
	s4 =	sadd.s32 s21, s2  }
0x9d: {  	[timem:s6], [sflag:s22] =	dma.local [hbm:s4], s20  }
0x9e: {  	_ =	swait.ge [sflag:s22], s20  }
0x9f: {  	s3 =	ssub.s32 $0x0, s20;
	[sflag:s22] =	ssyncset.done $0x0  }
0xa0: {  	[sflag:s22] =	ssyncadd.s32 s3;
	_ =	sdelay $0x1  }
0xa1: {  	s23 =	simm.s32 $0x1B8B  }
0xa2: {  	_ =	swait.ge [sflag:s23], $0x1  }
0xa3: {  	[sflag:s23] =	ssyncset.done $0x0  }
0xa4: {  	s25 =	simm.s32 $0x1B8E;
	s24 =	sld [smem:$0x3FFE];
	[sflag:s23] =	ssyncadd.s32 $0xFFFFFFFF  }
0xa5: {  	s26 =	simm.s32 $execute0_lowered;
	[smem:$0x3FD2] =	sst s25  }
0xa6: {  	s4 =	sshll.u32 s26, $0x1;
	_ =	strace $0x8000004C;
	[dreg:$0x1] =	wrdreg $0xFFFFFFFF  }
0xa7: {  	s28 =	simm.s32 $_size_execute0_lowered;
	s2 =	sadd.s32 s2, s4;
	[dreg:$0x0] =	wrdreg $0x0  }
0xa8: {  	s4 =	sshll.u32 s28, $0x1;
	[dreg:$0x2] =	wrdreg s2  }
0xa9: {  	[dreg:$0x3] =	wrdreg s4  }
0xaa: {  	[dreg:$0x4] =	wrdreg $0xC0  }
0xab: {  	_ =	task [dreg:s6], $0x5FFFF  }
0xac: {  	[dreg:$0x1] =	wrdreg $0xFFFFFFFF  }
0xad: {  	[dreg:$0x0] =	wrdreg $0x60  }
0xae: {  	[dreg:$0x2] =	wrdreg s24  }
0xaf: {  	[dreg:$0x3] =	wrdreg $0xA8000  }
0xb0: {  	[dreg:$0x4] =	wrdreg $0x9  }
0xb1: {  	_ =	task.clear_ibuf [dreg:s6], $0x5FFFF;
	_ =	strace $0x9000004C  }
0xb2: {  	s29 =	simm.s32 $0x9;
	_ =	strace $0x8000004E  }
0xb3: {  	_ =	swait.ge [sflag:s29], $0x1  }
0xb4: {  	[sflag:s29] =	ssyncadd.s32 $0xFFFFFFFF  }
0xb5: {  	_ =	strace $0x9000004E  }
0xb6: {  	_ =	sfence  }
0xb7: {  	s30 =	sld [smem:$0x0];
	_ =	sdelay $0x2  }
0xb8: {  	s31 =	sshll.u32 s1, $0xD;
	s1 =	sshrl.u32 s1, $0x2  }
0xb9: {  	s3 =	sand.u32 $0x4000, s31;
	s1 =	sadd.s32 s1, s30  }
0xba: {  	s0 =	sor.u32 s3, s0;
	s1 =	sshll.u32 s1, $0x11  }
0xbb: {  	s0 =	sor.u32 s1, s0  }
0xbc: {  	s0 =	sadd.s32 $0x8F2B, s0  }
0xbd: {  	[sflag:s0] =	ssyncadd.remote.s32 $0x1  }
0xbe: {  	_ =	sfence.sel $0xFFFF  }
0xbf: {  	[dreg:$0x0] =	wrdreg $0xFFFFFFFF;
	(pc) =	sbr.abs _section_cstart, $3  }
0xc0: {  	[dreg:$0x1] =	wrdreg $0xFFFFFFFF  }
0xc1: {  	_ =	task.clear_ibuf [dreg:s6], $0x2FFFF;
	_ =	strace $0x9FFFFFFF  }
0xc2: {  	(tm) =	ssettm $0x7FFFFFFF  }
0xc3: {  	_ =	shalt  }
tec
execute0_lowered:
.L_overlay_start_1:
0x0: {  	(tag) =	ssettag $0x1  }
0x1: {  	s5 =	rddreg [dreg:$0x0]  }
0x2: {  	s2 =	rddreg [dreg:$0x1]  }
0x3: {  	s0 =	srdreg.scid;
	s1 =	rddreg [dreg:$0x2]  }
0x4: {  	s3 =	simm.s32 $0x0;
	s15 =	simm.s32 $0x3;
	s16 =	simm.s32 $0x4  }
0x5: {  	s17 =	simm.s32 $0x1400;
	s18 =	simm.s32 $0x80;
	s4 =	sand.u32 $0x1, s0  }
0x6: {  	s19 =	simm.s32 $0x2800;
	s0 =	stileid.u32;
	s6 =	smul.u32 $0x28000, s4  }
0x7: {  	s20 =	simm.s32 $0x6800;
	s21 =	simm.s32 $0x1;
	s7 =	smul.u32 $0x2800, s0  }
0x8: {  	s22 =	simm.s32 $0x2;
	s23 =	simm.s32 $0x2700;
	s8 =	smul.u32 $0x140000, s4  }
0x9: {  	s24 =	simm.s32 $0x2780;
	[smem:$0x7FF] =	sst s3;
	s9 =	smul.u32 $0x14000, s0  }
0xa: {  	_ =	strace $0x8000004D;
	s26 =	ssub.s32 $0x2, s4;
	s28 =	smul.u32 $0x50000, s0  }
0xb: {  	s4 =	sadd.s32 $0x11000, s5;
	s30 =	sshrl.u32 s26, $0x1;
	s6 =	sadd.s32 s7, s6  }
0xc: {  	s7 =	sshrl.u32 s7, $0x3;
	s25 =	sadd.s32 s9, s8;
	s11 =	ssub.s32 s26, s30  }
0xd: {  	s31 =	sshrl.u32 s28, $0x2;
	s10 =	sshrl.u32 s6, $0x3;
	s13 =	sadd.s32 s7, s5  }
0xe: {  	s7 =	sshrl.u32 s25, $0x3;
	s14 =	sadd.s32 s31, s2;
	s6 =	sadd.s32 s4, s6  }
0xf: {  	s9 =	smax.u32 s11, $0x1;
	s25 =	simm.s32 $0x0;
	s12 =	sadd.s32 s10, s5  }
0x10: {  	s29 =	sadd.s32 s7, s5;
	s5 =	sshll.u32 s0, $0x6;
	s11 =	sadd.s32 $0x2000, s13  }
0x11: {  	s13 =	sadd.s32 $0x2280, s13;
	s14 =	sshrl.u32 s14, $0x3;
	s7 =	sor.u32 $0x1C03, s5  }
0x12: {  	s8 =	sadd.s32 $0x61000, s29;
	s10 =	sadd.s32 $0x7000, s12;
	s12 =	sadd.s32 $0x7280, s12  }
.LBB2_1:
0x13: {  	[spmem:s14], [sflag:s7] =	dma.local [hbm:s6], $0x2800  }
0x14: {  	_ =	swait.ge [sflag:s15], $0x2800  }
0x15: {  	[sflag:s15] =	ssyncset.done $0x0  }
0x16: {  	[sflag:s15] =	ssyncadd.s32 $0xFFFFD800  }
0x17: {  	[bflag:$0x0] =	sbarrier.arrive $0xFFFF  }
0x18: {  	[tilespmem:s3], [sflag:$0x4] =	stream.linear.gather [hbm4b:s10+s3], $0x1400, $0x38;
	[tilespmem:$0x1E800] =	vst v63  }
0x19: {  	_ =	swait.ge [sflag:s16], $0x1400  }
0x1a: {  	[sflag:s16] =	ssyncset.done $0x0  }
0x1b: {  	[sflag:s16] =	ssyncadd.s32 $0xFFFFEC00  }
0x1c: {  	[tilespmem:s17], [sflag:$0x4] =	stream.linear.gather [hbm4b:s11+s3], $0x1400, $0x38;
	[tilespmem:$0x1E800] =	vst v63  }
0x1d: {  	_ =	swait.ge [sflag:s16], $0x1400  }
0x1e: {  	[sflag:s16] =	ssyncset.done $0x0  }
0x1f: {  	[sflag:s16] =	ssyncadd.s32 $0xFFFFEC00  }
0x20: {  	[tilespmem:s19], [sflag:$0x1] =	stream.indirect.gather [hbm4b:s4+s18], $0x80, s3, s18, $0xb8;
	[tilespmem:$0x1E800] =	vst v63  }
0x21: {  	_ = 	snop  }
0x22: {  	[tilespmem:s20], [sflag:$0x2] =	stream.indirect.gather [hbm4b:s4+s18], $0x80, s18, s18, $0xb8;
	[tilespmem:$0x1E800] =	vst v63  }
0x23: {  	_ =	swait.ge [sflag:s21], $0x4000  }
0x24: {  	[sflag:s21] =	ssyncset.done $0x0  }
0x25: {  	s26 =	simm.s32 $0x1400;
	[sflag:s21] =	ssyncadd.s32 $0xFFFFC000  }
0x26: {  	[spmem:s2] =	stream.indirect.scatter.add.f32 [tilespmem:s19], [sflag:$0x4], $0x80, s26, s18, $0xb8;
	[tilespmem:$0x1E800] =	vst v63  }
0x27: {  	_ =	swait.ge [sflag:s16], $0x4000  }
0x28: {  	[sflag:s16] =	ssyncset.done $0x0  }
0x29: {  	s30 =	simm.s32 $0x100;
	[sflag:s16] =	ssyncadd.s32 $0xFFFFC000  }
0x2a: {  	[tilespmem:s19], [sflag:$0x1] =	stream.indirect.gather [hbm4b:s4+s18], $0x80, s30, s18, $0xb8;
	[tilespmem:$0x1E800] =	vst v63  }
0x2b: {  	_ =	swait.ge [sflag:s22], $0x4000  }
0x2c: {  	[sflag:s22] =	ssyncset.done $0x0  }
0x2d: {  	s31 =	simm.s32 $0x1480;
	[sflag:s22] =	ssyncadd.s32 $0xFFFFC000  }
0x2e: {  	[spmem:s2] =	stream.indirect.scatter.add.f32 [tilespmem:s20], [sflag:$0x4], $0x80, s31, s18, $0xb8;
	[tilespmem:$0x1E800] =	vst v63  }
0x2f: {  	_ =	swait.ge [sflag:s16], $0x4000  }
0x30: {  	[sflag:s16] =	ssyncset.done $0x0  }
0x31: {  	s28 =	simm.s32 $0x180;
	s26 =	simm.s32 $0x400;
	[sflag:s16] =	ssyncadd.s32 $0xFFFFC000  }
.LBB2_2:
0x32: {  	[tilespmem:s20], [sflag:$0x2] =	stream.indirect.gather [hbm4b:s4+s18], $0x80, s28, s18, $0xb8;
	[tilespmem:$0x1E800] =	vst v63  }
0x33: {  	s28 =	smov.u32 s26  }
0x34: {  	p0 =	sne.s32 s26, $0x4800;
	s26 =	sadd.s32 $0x400, s26;
	_ =	swait.ge [sflag:s21], $0x4000  }
0x35: {  	s28 =	sshra.s32 s28, $0x2;
	[sflag:s21] =	ssyncset.done $0x0  }
0x36: {  	s29 =	sadd.s32 $0x1400, s28;
	[sflag:s21] =	ssyncadd.s32 $0xFFFFC000  }
0x37: {  	[spmem:s2] =	stream.indirect.scatter.add.f32 [tilespmem:s19], [sflag:$0x4], $0x80, s29, s18, $0xb8;
	[tilespmem:$0x1E800] =	vst v63  }
0x38: {  	_ =	swait.ge [sflag:s16], $0x4000  }
0x39: {  	[sflag:s16] =	ssyncset.done $0x0  }
0x3a: {  	s29 =	sadd.s32 $0x100, s28;
	[sflag:s16] =	ssyncadd.s32 $0xFFFFC000  }
0x3b: {  	[tilespmem:s19], [sflag:$0x1] =	stream.indirect.gather [hbm4b:s4+s18], $0x80, s29, s18, $0xb8;
	[tilespmem:$0x1E800] =	vst v63  }
0x3c: {  	_ =	swait.ge [sflag:s22], $0x4000  }
0x3d: {  	[sflag:s22] =	ssyncset.done $0x0  }
.Ltmp0:
0x3e: {  	s29 =	sadd.s32 $0x1480, s28;
	[sflag:s22] =	ssyncadd.s32 $0xFFFFC000;
	(pc) =	sbr.rel @p0 .LBB2_2-.Ltmp0, $4  }
0x3f: {  	[spmem:s2] =	stream.indirect.scatter.add.f32 [tilespmem:s20], [sflag:$0x4], $0x80, s29, s18, $0xb8;
	[tilespmem:$0x1E800] =	vst v63  }
0x40: {  	_ =	swait.ge [sflag:s16], $0x4000  }
0x41: {  	[sflag:s16] =	ssyncset.done $0x0  }
0x42: {  	s28 =	sadd.s32 $0x180, s28;
	[sflag:s16] =	ssyncadd.s32 $0xFFFFC000  }
0x43: {  	[tilespmem:s20], [sflag:$0x2] =	stream.indirect.gather [hbm4b:s4+s18], $0x80, s28, s18, $0xb8;
	[tilespmem:$0x1E800] =	vst v63  }
0x44: {  	_ =	swait.ge [sflag:s21], $0x4000  }
0x45: {  	[sflag:s21] =	ssyncset.done $0x0  }
0x46: {  	[sflag:s21] =	ssyncadd.s32 $0xFFFFC000  }
0x47: {  	[spmem:s2] =	stream.indirect.scatter.add.f32 [tilespmem:s19], [sflag:$0x4], $0x80, s23, s18, $0xb8;
	[tilespmem:$0x1E800] =	vst v63  }
0x48: {  	_ =	swait.ge [sflag:s16], $0x4000  }
0x49: {  	[sflag:s16] =	ssyncset.done $0x0  }
0x4a: {  	[sflag:s16] =	ssyncadd.s32 $0xFFFFC000  }
0x4b: {  	_ =	swait.ge [sflag:s22], $0x4000  }
0x4c: {  	[sflag:s22] =	ssyncset.done $0x0  }
0x4d: {  	[sflag:s22] =	ssyncadd.s32 $0xFFFFC000  }
0x4e: {  	[spmem:s2] =	stream.indirect.scatter.add.f32 [tilespmem:s20], [sflag:$0x4], $0x80, s24, s18, $0xb8;
	[tilespmem:$0x1E800] =	vst v63  }
0x4f: {  	_ =	swait.ge [sflag:s16], $0x4000  }
0x50: {  	[sflag:s16] =	ssyncset.done $0x0  }
0x51: {  	s26 =	simm.s32 $0x0;
	[sflag:s16] =	ssyncadd.s32 $0xFFFFC000  }
0x52: {  	[tilespmem:s26], [sflag:$0x4] =	stream.linear.gather [hbm4b:s12+s26], $0x1400, $0x38;
	[tilespmem:$0x1E800] =	vst v63  }
0x53: {  	_ =	swait.ge [sflag:s16], $0x1400  }
0x54: {  	[sflag:s16] =	ssyncset.done $0x0  }
0x55: {  	[sflag:s16] =	ssyncadd.s32 $0xFFFFEC00  }
0x56: {  	[tilespmem:s17], [sflag:$0x4] =	stream.linear.gather [hbm4b:s13+s26], $0x1400, $0x38;
	[tilespmem:$0x1E800] =	vst v63  }
0x57: {  	_ =	swait.ge [sflag:s16], $0x1400  }
0x58: {  	[sflag:s16] =	ssyncset.done $0x0  }
0x59: {  	[sflag:s16] =	ssyncadd.s32 $0xFFFFEC00  }
0x5a: {  	[tilespmem:s19], [sflag:$0x1] =	stream.indirect.gather [hbm4b:s4+s18], $0x80, s26, s18, $0xb8;
	[tilespmem:$0x1E800] =	vst v63  }
0x5b: {  	_ = 	snop  }
0x5c: {  	[tilespmem:s20], [sflag:$0x2] =	stream.indirect.gather [hbm4b:s4+s18], $0x80, s18, s18, $0xb8;
	[tilespmem:$0x1E800] =	vst v63  }
0x5d: {  	_ =	swait.ge [sflag:s21], $0x4000  }
0x5e: {  	[sflag:s21] =	ssyncset.done $0x0  }
0x5f: {  	s29 =	simm.s32 $0x1400;
	[sflag:s21] =	ssyncadd.s32 $0xFFFFC000  }
0x60: {  	[spmem:s2] =	stream.indirect.scatter.add.f32 [tilespmem:s19], [sflag:$0x4], $0x80, s29, s18, $0xb8;
	[tilespmem:$0x1E800] =	vst v63  }
0x61: {  	_ =	swait.ge [sflag:s16], $0x4000  }
0x62: {  	[sflag:s16] =	ssyncset.done $0x0  }
0x63: {  	s30 =	simm.s32 $0x100;
	[sflag:s16] =	ssyncadd.s32 $0xFFFFC000  }
0x64: {  	[tilespmem:s19], [sflag:$0x1] =	stream.indirect.gather [hbm4b:s4+s18], $0x80, s30, s18, $0xb8;
	[tilespmem:$0x1E800] =	vst v63  }
0x65: {  	_ =	swait.ge [sflag:s22], $0x4000  }
0x66: {  	[sflag:s22] =	ssyncset.done $0x0  }
0x67: {  	s31 =	simm.s32 $0x1480;
	[sflag:s22] =	ssyncadd.s32 $0xFFFFC000  }
0x68: {  	[spmem:s2] =	stream.indirect.scatter.add.f32 [tilespmem:s20], [sflag:$0x4], $0x80, s31, s18, $0xb8;
	[tilespmem:$0x1E800] =	vst v63  }
0x69: {  	_ =	swait.ge [sflag:s16], $0x4000  }
0x6a: {  	[sflag:s16] =	ssyncset.done $0x0  }
0x6b: {  	s28 =	simm.s32 $0x180;
	s26 =	simm.s32 $0x400;
	[sflag:s16] =	ssyncadd.s32 $0xFFFFC000  }
.LBB2_4:
0x6c: {  	[tilespmem:s20], [sflag:$0x2] =	stream.indirect.gather [hbm4b:s4+s18], $0x80, s28, s18, $0xb8;
	[tilespmem:$0x1E800] =	vst v63  }
0x6d: {  	s28 =	smov.u32 s26  }
0x6e: {  	p0 =	sne.s32 s26, $0x4800;
	s26 =	sadd.s32 $0x400, s26;
	_ =	swait.ge [sflag:s21], $0x4000  }
0x6f: {  	s28 =	sshra.s32 s28, $0x2;
	[sflag:s21] =	ssyncset.done $0x0  }
0x70: {  	s29 =	sadd.s32 $0x1400, s28;
	[sflag:s21] =	ssyncadd.s32 $0xFFFFC000  }
0x71: {  	[spmem:s2] =	stream.indirect.scatter.add.f32 [tilespmem:s19], [sflag:$0x4], $0x80, s29, s18, $0xb8;
	[tilespmem:$0x1E800] =	vst v63  }
0x72: {  	_ =	swait.ge [sflag:s16], $0x4000  }
0x73: {  	[sflag:s16] =	ssyncset.done $0x0  }
0x74: {  	s29 =	sadd.s32 $0x100, s28;
	[sflag:s16] =	ssyncadd.s32 $0xFFFFC000  }
0x75: {  	[tilespmem:s19], [sflag:$0x1] =	stream.indirect.gather [hbm4b:s4+s18], $0x80, s29, s18, $0xb8;
	[tilespmem:$0x1E800] =	vst v63  }
0x76: {  	_ =	swait.ge [sflag:s22], $0x4000  }
0x77: {  	[sflag:s22] =	ssyncset.done $0x0  }
.Ltmp1:
0x78: {  	s29 =	sadd.s32 $0x1480, s28;
	[sflag:s22] =	ssyncadd.s32 $0xFFFFC000;
	(pc) =	sbr.rel @p0 .LBB2_4-.Ltmp1, $4  }
0x79: {  	[spmem:s2] =	stream.indirect.scatter.add.f32 [tilespmem:s20], [sflag:$0x4], $0x80, s29, s18, $0xb8;
	[tilespmem:$0x1E800] =	vst v63  }
0x7a: {  	_ =	swait.ge [sflag:s16], $0x4000  }
0x7b: {  	[sflag:s16] =	ssyncset.done $0x0  }
0x7c: {  	s28 =	sadd.s32 $0x180, s28;
	[sflag:s16] =	ssyncadd.s32 $0xFFFFC000  }
0x7d: {  	[tilespmem:s20], [sflag:$0x2] =	stream.indirect.gather [hbm4b:s4+s18], $0x80, s28, s18, $0xb8;
	[tilespmem:$0x1E800] =	vst v63  }
0x7e: {  	_ =	swait.ge [sflag:s21], $0x4000  }
0x7f: {  	[sflag:s21] =	ssyncset.done $0x0  }
0x80: {  	[sflag:s21] =	ssyncadd.s32 $0xFFFFC000  }
0x81: {  	[spmem:s2] =	stream.indirect.scatter.add.f32 [tilespmem:s19], [sflag:$0x4], $0x80, s23, s18, $0xb8;
	[tilespmem:$0x1E800] =	vst v63  }
0x82: {  	_ =	swait.ge [sflag:s16], $0x4000  }
0x83: {  	[sflag:s16] =	ssyncset.done $0x0  }
0x84: {  	[sflag:s16] =	ssyncadd.s32 $0xFFFFC000  }
0x85: {  	_ =	swait.ge [sflag:s22], $0x4000  }
0x86: {  	[sflag:s22] =	ssyncset.done $0x0  }
0x87: {  	[sflag:s22] =	ssyncadd.s32 $0xFFFFC000  }
0x88: {  	[spmem:s2] =	stream.indirect.scatter.add.f32 [tilespmem:s20], [sflag:$0x4], $0x80, s24, s18, $0xb8;
	[tilespmem:$0x1E800] =	vst v63  }
0x89: {  	_ =	swait.ge [sflag:s16], $0x4000  }
0x8a: {  	s25 =	sadd.s32 $0x1, s25;
	[sflag:s16] =	ssyncset.done $0x0  }
0x8b: {  	p0 =	sne.s32 s25, s9;
	[sflag:s16] =	ssyncadd.s32 $0xFFFFC000  }
.Ltmp2:
0x8c: {  	s26 =	sor.u32 $0x1C04, s5;
	[bflag:$0x0] =	sbarrier.arrive $0xFFFF;
	(pc) =	sbr.rel @p0 .LBB2_1-.Ltmp2, $4  }
0x8d: {  	[hbm:s8], [sflag:s26] =	dma.local [spmem:s14], $0x2800  }
0x8e: {  	_ =	swait.ge [sflag:s16], $0x2800  }
0x8f: {  	[sflag:s16] =	ssyncset.done $0x0  }
0x90: {  	[sflag:s16] =	ssyncadd.s32 $0xFFFFD800  }
0x91: {  	_ =	sfence.sel $0x180000  }
0x92: {  	[bflag:$0x0] =	sbarrier.arrive $0xFFFF  }
0x93: {  	p0 =	sne.s32 s0, $0x0;
	_ =	strace $0x9000004D  }
0x94: {  	s0 =	sadd.s32 @!p0 $0x100000, s1;
	[bflag:$0x2] =	sbarrier.arrive $0xFFFF  }
0x95: {  	[sflag:s0] =	ssyncadd.tile.s32 @!p0 $0x1;
	_ =	shalt  }
.Lfunc_end2:
_tile_overlayer_lowered:
.L_overlay_start_2:
0x96: {  	(tag) =	ssettag $0x2  }
0x97: {  	s0 =	rddreg [dreg:$0x0];
	s2 =	stileid.u32  }
0x98: {  	s1 =	rddreg [dreg:$0x1];
	p0 =	sne.s32 s2, $0x0  }
0x99: {  	s3 =	rddreg [dreg:$0x2];
	[bflag:$0x3] =	sbarrier.arrive $0xFFFF;
	s2 =	simm.s32 @!p0 $0x1C04  }
0x9a: {  	[timem:s3], [sflag:s2] =	dma.local @!p0 [hbm:s0], s1  }
0x9b: {  	s0 =	simm.s32 @!p0 $0x4  }
0x9c: {  	_ =	swait.ge @!p0 [sflag:s0], s1  }
0x9d: {  	s1 =	ssub.s32 @!p0 $0x0, s1;
	[sflag:s0] =	ssyncset.done @!p0 $0x0  }
0x9e: {  	[sflag:s0] =	ssyncadd.s32 @!p0 s1  }
0x9f: {  	[bflag:$0x3] =	sbarrier.arrive $0xFFFF  }
0xa0: {  	_ =	shalt  }

// kernel: kernel.9.cloned.1.call-start
scs
__scs_entry_jumppad:
0x0: {  	(pc) =	sbr.rel $0x88, $3  }
0x1: {  	(tag) =	ssettag $0x0;
	lr =	simm.s32 $0x1  }
0x2: {  	[smem:$0x3F9B] =	sst lr;
	_ =	strace $0xD0000000  }
0x3: {  	_ = 	snop  }
0x4: {  	_ = 	snop  }
0x5: {  	_ = 	snop  }
0x6: {  	_ = 	snop  }
0x7: {  	_ = 	snop  }
__scs_overlays_trampoline_lowered:
0x8: {  	[smem:$0x3FAA] =	sst s0  }
0x9: {  	[smem:$0x3FAB] =	sst s1  }
0xa: {  	[smem:$0x3FAC] =	sst s2  }
0xb: {  	[smem:$0x3FAD] =	sst s3  }
0xc: {  	[smem:$0x3FAE] =	sst s4  }
0xd: {  	[smem:$0x3FAF] =	sst s5  }
0xe: {  	[smem:$0x3FB0] =	sst s6  }
0xf: {  	[smem:$0x3FB1] =	sst s7  }
0x10: {  	[smem:$0x3FB2] =	sst s8  }
0x11: {  	[smem:$0x3FB3] =	sst s9;
	s0 =	simm.s32 @!p0 $0x0  }
0x12: {  	s1 =	sld [smem:$0x3F99];
	s0 =	simm.s32 @p0 $0x1  }
0x13: {  	[smem:$0x3FB4] =	sst s0;
	s0 =	simm.s32 @!p1 $0x0  }
0x14: {  	s2 =	sld [smem:$0x3F98];
	s0 =	simm.s32 @p1 $0x1  }
0x15: {  	[smem:$0x3FB5] =	sst s0;
	s0 =	simm.s32 @!p2 $0x0  }
0x16: {  	s3 =	sld [smem:$0x3FDB];
	s0 =	simm.s32 @p2 $0x1  }
0x17: {  	s4 =	simm.s32 $0x1BF5;
	[smem:$0x3FB7] =	sst s0  }
0x18: {  	s0 =	sld [smem:$0x3F9A];
	_ =	swait.ge [sflag:s4], $0x0  }
0x19: {  	s7 =	sld [smem:$0x3F9B]  }
0x1a: {  	s8 =	sadd.s32 $0xFFFFE003, lr  }
0x1b: {  	s9 =	sadd.s32 $0xFFFFFEF7, lr;
	s5 =	simm.s32 $0xFFFFFFFF;
	p2 =	slt.u32 s8, $0xFFFFF086  }
0x1c: {  	p1 =	slt.u32 s9, $0xF7A;
	s5 =	simm.s32 @!p2 $0x0  }
0x1d: {  	s5 =	simm.s32 @p1 $0x1;
	p0 =	seq.s32 s7, s2  }
0x1e: {  	s7 =	smul.u32 @!p0 $0xF7A, s2;
	p2 =	seq.s32 @!p0 s5, $0x0  }
0x1f: {  	s9 =	smul.u32 $0xF7A, s1;
	s8 =	simm.s32 @!p0 $0x1BF5;
	p2 =	por !p2, p0  }
0x20: {  	[sflag:s8] =	ssyncset.s32 @!p0 $0xFFFFF086;
	s6 =	sadd.s32 @!p0 s3, s7;
	s7 =	simm.s32 @!p0 $0x108  }
0x21: {  	s3 =	sadd.s32 s3, s9;
	s6 =	sadd.s32 @!p0 $0x88, s6;
	s7 =	simm.s32 @p2 $0x1082  }
0x22: {  	[simem:s7], [sflag:s8] =	dma.local @!p0 [hbm:s6], $0xF7A  }
0x23: {  	s9 =	sor.u32 $0xD0000000, s2;
	s6 =	simm.s32 $0x108;
	_ =	swait.ge @!p0 [sflag:s8], $0x0  }
0x24: {  	s3 =	sadd.s32 $0x88, s3;
	s6 =	simm.s32 @!p1 $0x1082;
	[sflag:s4] =	ssyncset.s32 $0xFFFFF086  }
0x25: {  	[simem:s6], [sflag:s4] =	dma.local [hbm:s3], $0xF7A  }
0x26: {  	[smem:$0x3F9B] =	sst s1;
	(tag) =	ssettag s2;
	_ =	strace s9  }
0x27: {  	s1 =	sld [smem:$0x3FAB]  }
0x28: {  	s2 =	sld [smem:$0x3FAC]  }
0x29: {  	s4 =	sld [smem:$0x3FAE]  }
0x2a: {  	p0 =	seq.s32 s5, $0x0;
	s5 =	sld [smem:$0x3FAF]  }
0x2b: {  	s6 =	sld [smem:$0x3FB0]  }
0x2c: {  	s7 =	sld [smem:$0x3FB1]  }
0x2d: {  	s3 =	simm.s32 $0x108;
	s8 =	sld [smem:$0x3FB2]  }
0x2e: {  	s3 =	simm.s32 @!p0 $0x1082;
	s9 =	sld [smem:$0x3FB3]  }
0x2f: {  	lr =	sadd.s32 s0, s3;
	s0 =	sld [smem:$0x3FAA]  }
0x30: {  	s3 =	sld [smem:$0x3FAD]  }
0x31: {  	[smem:$0x3FB6] =	sst s10  }
0x32: {  	s10 =	sld [smem:$0x3FB4];
	_ =	sdelay $0x3  }
0x33: {  	p0 =	seq.s32 s10, $0x1;
	s10 =	sld [smem:$0x3FB6];
	_ =	sdelay $0x3  }
0x34: {  	[smem:$0x3FB6] =	sst s10  }
0x35: {  	s10 =	sld [smem:$0x3FB5];
	_ =	sdelay $0x3  }
0x36: {  	p1 =	seq.s32 s10, $0x1;
	s10 =	sld [smem:$0x3FB6];
	_ =	sdelay $0x3  }
0x37: {  	[smem:$0x3FB6] =	sst s10  }
0x38: {  	s10 =	sld [smem:$0x3FB7]  }
0x39: {  	_ = 	snop;
	(pc) =	sbr.ind lr, $3  }
0x3a: {  	_ = 	snop  }
0x3b: {  	_ = 	snop  }
0x3c: {  	p2 =	seq.s32 s10, $0x1;
	s10 =	sld [smem:$0x3FB6]  }
0x3d: {  	_ =	shalt  }
0x3e: {  	_ =	shalt  }
0x3f: {  	_ =	shalt  }
0x40: {  	_ =	shalt  }
0x41: {  	_ =	shalt  }
0x42: {  	_ =	shalt  }
0x43: {  	_ =	shalt  }
0x44: {  	_ =	shalt  }
0x45: {  	_ =	shalt  }
0x46: {  	_ =	shalt  }
0x47: {  	_ =	shalt  }
0x48: {  	_ =	shalt  }
0x49: {  	_ =	shalt  }
0x4a: {  	_ =	shalt  }
0x4b: {  	_ =	shalt  }
0x4c: {  	_ =	shalt  }
0x4d: {  	_ =	shalt  }
0x4e: {  	_ =	shalt  }
0x4f: {  	_ =	shalt  }
0x50: {  	_ =	shalt  }
0x51: {  	_ =	shalt  }
0x52: {  	_ =	shalt  }
0x53: {  	_ =	shalt  }
0x54: {  	_ =	shalt  }
0x55: {  	_ =	shalt  }
0x56: {  	_ =	shalt  }
0x57: {  	_ =	shalt  }
0x58: {  	_ =	shalt  }
0x59: {  	_ =	shalt  }
0x5a: {  	_ =	shalt  }
0x5b: {  	_ =	shalt  }
0x5c: {  	_ =	shalt  }
0x5d: {  	_ =	shalt  }
0x5e: {  	_ =	shalt  }
0x5f: {  	_ =	shalt  }
0x60: {  	_ =	shalt  }
0x61: {  	_ =	shalt  }
0x62: {  	_ =	shalt  }
0x63: {  	_ =	shalt  }
0x64: {  	_ =	shalt  }
0x65: {  	_ =	shalt  }
0x66: {  	_ =	shalt  }
0x67: {  	_ =	shalt  }
0x68: {  	_ =	shalt  }
0x69: {  	_ =	shalt  }
0x6a: {  	_ =	shalt  }
0x6b: {  	_ =	shalt  }
0x6c: {  	_ =	shalt  }
0x6d: {  	_ =	shalt  }
0x6e: {  	_ =	shalt  }
0x6f: {  	_ =	shalt  }
0x70: {  	_ =	shalt  }
0x71: {  	_ =	shalt  }
0x72: {  	_ =	shalt  }
0x73: {  	_ =	shalt  }
0x74: {  	_ =	shalt  }
0x75: {  	_ =	shalt  }
0x76: {  	_ =	shalt  }
0x77: {  	_ =	shalt  }
0x78: {  	_ =	shalt  }
0x79: {  	_ =	shalt  }
0x7a: {  	_ =	shalt  }
0x7b: {  	_ =	shalt  }
0x7c: {  	_ =	shalt  }
0x7d: {  	_ =	shalt  }
0x7e: {  	_ =	shalt  }
0x7f: {  	_ =	shalt  }
0x80: {  	_ =	shalt  }
0x81: {  	_ =	shalt  }
0x82: {  	_ =	shalt  }
0x83: {  	_ =	shalt  }
0x84: {  	_ =	shalt  }
0x85: {  	_ =	shalt  }
0x86: {  	_ =	shalt  }
0x87: {  	_ =	shalt  }
.Lfunc_end0:
.L_simem_size_0:
called_computation_lowered:
.L_overlay_start_0:
0x88: {  	s2 =	sld [smem:$0x3FD9]  }
0x89: {  	s3 =	sld [smem:$0x3FFE];
	_ =	sdelay $0x1  }
0x8a: {  	s1 =	srdreg.scid  }
0x8b: {  	s0 =	sand.u32 $0x1, s1  }
0x8c: {  	s17 =	sshll.u32 s0, $0xA;
	s2 =	sadd.s32 s3, s2  }
0x8d: {  	s2 =	sadd.s32 s2, s17  }
0x8e: {  	[smem:$0x3FC2] =	sst s2  }
0x8f: {  	_ = 	snop  }
0x90: {  	s2 =	sld [smem:$0x3FD0];
	(tm) =	ssettm $0x1  }
0x91: {  	s18 =	sld [smem:$0x3FFB];
	_ =	sdelay $0x3  }
0x92: {  	_ =	strace s18  }
0x93: {  	s3 =	sld [smem:$0x3FFC];
	_ =	sdelay $0x3  }
0x94: {  	_ =	strace s3  }
0x95: {  	s3 =	sld [smem:$0x3FFD];
	_ =	sdelay $0x3  }
0x96: {  	_ =	strace s3  }
0x97: {  	_ =	strace $0x8FFFFFFF  }
0x98: {  	s19 =	sld [smem:$0x3FDB];
	_ =	sdelay $0x1  }
0x99: {  	s4 =	simm.s32 $_scs_section_size  }
0x9a: {  	s5 =	simm.s32 $_size__tile_overlayer_lowered;
	s6 =	simm.s32 $_tile_overlayer_lowered  }
0x9b: {  	s22 =	simm.s32 $0x1BFF;
	s21 =	sshll.u32 s6, $0x1;
	s3 =	sadd.s32 s4, s19  }
0x9c: {  	s7 =	simm.s32 $0x0;
	s20 =	sshll.u32 s5, $0x1;
	s5 =	sadd.s32 s21, s3  }
0x9d: {  	[timem:s7], [sflag:s22] =	dma.local [hbm:s5], s20  }
0x9e: {  	_ =	swait.ge [sflag:s22], s20  }
0x9f: {  	s4 =	ssub.s32 $0x0, s20;
	[sflag:s22] =	ssyncset.done $0x0  }
0xa0: {  	[sflag:s22] =	ssyncadd.s32 s4;
	_ =	sdelay $0x1  }
0xa1: {  	s23 =	simm.s32 $0x1B8B  }
0xa2: {  	_ =	swait.ge [sflag:s23], $0x1  }
0xa3: {  	[sflag:s23] =	ssyncset.done $0x0  }
0xa4: {  	s25 =	simm.s32 $0x1B8E;
	s24 =	sld [smem:$0x3FFE];
	[sflag:s23] =	ssyncadd.s32 $0xFFFFFFFF  }
0xa5: {  	s26 =	simm.s32 $execute0_lowered;
	[smem:$0x3FD2] =	sst s25  }
0xa6: {  	s5 =	sshll.u32 s26, $0x1;
	_ =	strace $0x80000046;
	[dreg:$0x1] =	wrdreg $0xFFFFFFFF  }
0xa7: {  	s28 =	simm.s32 $_size_execute0_lowered;
	s3 =	sadd.s32 s3, s5;
	[dreg:$0x0] =	wrdreg $0x0  }
0xa8: {  	s5 =	sshll.u32 s28, $0x1;
	[dreg:$0x2] =	wrdreg s3  }
0xa9: {  	[dreg:$0x3] =	wrdreg s5  }
0xaa: {  	[dreg:$0x4] =	wrdreg $0xC0  }
0xab: {  	_ =	task [dreg:s7], $0x5FFFF  }
0xac: {  	[dreg:$0x1] =	wrdreg $0xFFFFFFFF  }
0xad: {  	[dreg:$0x0] =	wrdreg $0x60  }
0xae: {  	[dreg:$0x2] =	wrdreg s24  }
0xaf: {  	[dreg:$0x3] =	wrdreg s2  }
0xb0: {  	[dreg:$0x4] =	wrdreg $0x9  }
0xb1: {  	_ =	task.clear_ibuf [dreg:s7], $0x5FFFF;
	_ =	strace $0x90000046  }
0xb2: {  	s29 =	simm.s32 $0x9;
	_ =	strace $0x80000048  }
0xb3: {  	_ =	swait.ge [sflag:s29], $0x1  }
0xb4: {  	[sflag:s29] =	ssyncadd.s32 $0xFFFFFFFF  }
0xb5: {  	_ =	strace $0x90000048  }
0xb6: {  	_ =	sfence  }
0xb7: {  	s30 =	sld [smem:$0x0];
	_ =	sdelay $0x2  }
0xb8: {  	s31 =	sshll.u32 s1, $0xD;
	s1 =	sshrl.u32 s1, $0x2  }
0xb9: {  	s3 =	sand.u32 $0x4000, s31;
	s1 =	sadd.s32 s1, s30  }
0xba: {  	s0 =	sor.u32 s3, s0;
	s1 =	sshll.u32 s1, $0x11  }
0xbb: {  	s0 =	sor.u32 s1, s0  }
0xbc: {  	s0 =	sadd.s32 $0x8F2B, s0  }
0xbd: {  	[sflag:s0] =	ssyncadd.remote.s32 $0x1  }
0xbe: {  	_ =	sfence.sel $0xFFFF  }
0xbf: {  	[dreg:$0x0] =	wrdreg $0xFFFFFFFF;
	(pc) =	sbr.abs _section_cstart, $3  }
0xc0: {  	[dreg:$0x1] =	wrdreg $0xFFFFFFFF  }
0xc1: {  	_ =	task.clear_ibuf [dreg:s7], $0x2FFFF;
	_ =	strace $0x9FFFFFFF  }
0xc2: {  	(tm) =	ssettm $0x7FFFFFFF  }
0xc3: {  	_ =	shalt  }
tec
execute0_lowered:
.L_overlay_start_1:
0x0: {  	(tag) =	ssettag $0x1  }
0x1: {  	s0 =	srdreg.scid  }
0x2: {  	s4 =	rddreg [dreg:$0x0];
	s3 =	sand.u32 $0x1, s0  }
0x3: {  	s5 =	rddreg [dreg:$0x1];
	s0 =	stileid.u32;
	s1 =	sshll.u32 s3, $0x4  }
0x4: {  	s2 =	simm.s32 $0x0;
	s9 =	simm.s32 $0x400;
	s6 =	sor.u32 s0, s1  }
0x5: {  	s10 =	simm.s32 $0x0;
	[smem:$0x7FF] =	sst s2;
	s7 =	sshrl.u32 s6, $0x3  }
0x6: {  	s8 =	sshll.u32 s0, $0x7;
	s3 =	ssub.s32 $0x2, s3;
	s7 =	smul.u32 $0x14000, s7  }
0x7: {  	s1 =	rddreg [dreg:$0x2];
	s8 =	sand.u32 $0x380, s8;
	s6 =	smul.u32 $0x280, s6  }
0x8: {  	_ =	strace $0x80000047;
	s31 =	sshrl.u32 s3, $0x1;
	s7 =	sor.u32 s8, s7  }
0x9: {  	s4 =	sadd.s32 s6, s4;
	s6 =	ssub.s32 s3, s31;
	s7 =	sshrl.u32 s7, $0x3  }
0xa: {  	s3 =	sadd.s32 $0x2000, s4;
	s8 =	simm.s32 $0x80;
	s4 =	sadd.s32 s5, s7  }
0xb: {  	v0 =	vimm.f32 $0.0e+00;
	v1 =	vimm.f32 $1.000000000e+00;
	s5 =	smax.u32 s6, $0x1;
	s6 =	simm.s32 $0x1;
	s7 =	simm.s32 $0x1400  }
.LBB2_1:
0xc: {  	[tilespmem:s2], [sflag:$0x1] =	stream.linear.gather [hbm4b:s3+s2], $0x1400, $0x38;
	[tilespmem:$0x3C00] =	vst v63  }
0xd: {  	_ =	swait.ge [sflag:s6], $0x1400  }
0xe: {  	[sflag:s6] =	ssyncset.done $0x0  }
0xf: {  	s11 =	simm.s32 $0x0;
	[sflag:s6] =	ssyncadd.s32 $0xFFFFEC00  }
.LBB2_2:
0x10: {  	p0 =	sne.s32 s11, $0x9FC0  }
.Ltmp0:
0x11: {  	_ = 	snop;
	(pc) =	sbr.rel @p0 .LBB2_2-.Ltmp0, $3  }
0x12: {  	_ =	sdelay $0x1  }
0x13: {  	s12 =	sshra.s32 s11, $0x2  }
0x14: {  	s11 =	sadd.s32 $0x40, s11;
	[tilespmem:s12+$0x1400] =	vst v0  }
0x15: {  	s12 =	simm.s32 $0x0;
	s11 =	simm.s32 $0x40  }
.LBB2_4:
0x16: {  	p0 =	sne.s32 s11, $0x4FC0;
	v2 =	vld [tilespmem:s12+$0x0];
	_ =	sdelay $0x3  }
.Ltmp1:
0x17: {  	(pc) =	sbr.rel @p0 .LBB2_4-.Ltmp1, $2  }
0x18: {  	_ =	sdelay $0x2  }
0x19: {  	s12 =	sshra.s32 s11, $0x2;
	s11 =	sadd.s32 $0x40, s11;
	[tilespmem:v2+s7+$0x0] =	vst.idx.add.f32.msk $0xffff, v1  }
0x1a: {  	v2 =	vld [tilespmem:s12+$0x0];
	_ =	sdelay $0x5  }
0x1b: {  	s10 =	sadd.s32 $0x1, s10  }
0x1c: {  	p0 =	sne.s32 s10, s5  }
.Ltmp2:
0x1d: {  	[tilespmem:v2+s7+$0x0] =	vst.idx.add.f32.msk $0xffff, v1;
	(pc) =	sbr.rel @p0 .LBB2_1-.Ltmp2, $4  }
0x1e: {  	[hbm4b:s4+s8] =	stream.strided.scatter [tilespmem:s7], [sflag:$0x1], $0x2800, s9, s8, $0x38;
	[tilespmem:$0x3C00] =	vst v63  }
0x1f: {  	_ =	swait.ge [sflag:s6], $0x2800  }
0x20: {  	[sflag:s6] =	ssyncset.done $0x0  }
0x21: {  	[sflag:s6] =	ssyncadd.s32 $0xFFFFD800  }
0x22: {  	_ =	sfence.sel $0x180000  }
0x23: {  	[bflag:$0x0] =	sbarrier.arrive $0xFFFF  }
0x24: {  	p0 =	sne.s32 s0, $0x0;
	_ =	strace $0x90000047  }
0x25: {  	s0 =	sadd.s32 @!p0 $0x100000, s1;
	[bflag:$0x2] =	sbarrier.arrive $0xFFFF  }
0x26: {  	[sflag:s0] =	ssyncadd.tile.s32 @!p0 $0x1;
	_ =	shalt  }
.Lfunc_end2:
_tile_overlayer_lowered:
.L_overlay_start_2:
0x27: {  	(tag) =	ssettag $0x2  }
0x28: {  	s0 =	rddreg [dreg:$0x0];
	s2 =	stileid.u32  }
0x29: {  	s1 =	rddreg [dreg:$0x1];
	p0 =	sne.s32 s2, $0x0  }
0x2a: {  	s3 =	rddreg [dreg:$0x2];
	[bflag:$0x3] =	sbarrier.arrive $0xFFFF;
	s2 =	simm.s32 @!p0 $0x1C01  }
0x2b: {  	[timem:s3], [sflag:s2] =	dma.local @!p0 [hbm:s0], s1  }
0x2c: {  	s0 =	simm.s32 @!p0 $0x1  }
0x2d: {  	_ =	swait.ge @!p0 [sflag:s0], s1  }
0x2e: {  	s1 =	ssub.s32 @!p0 $0x0, s1;
	[sflag:s0] =	ssyncset.done @!p0 $0x0  }
0x2f: {  	[sflag:s0] =	ssyncadd.s32 @!p0 s1  }
0x30: {  	[bflag:$0x3] =	sbarrier.arrive $0xFFFF  }
0x31: {  	_ =	shalt  }

</sc_bundles>
